<compile_context>
chip_gen: v7x
topology: tpu7x:2x2x1
jax: 0.10.2.dev20260603
libtpu: 0.0.44.dev20260713+nightly
codegen_flags: <defaults>
</compile_context>

<pallas_src>
import functools

import jax
import jax.numpy as jnp
from jax import lax
from jax.experimental import pallas as pl
from jax.experimental.pallas import tpu as pltpu
from jax.experimental.pallas import tpu_sc as plsc

_NL = 7
_TILE = 4096

_INV_PI = 0.3183098861837907
_MAGIC = 12582912.0
_C1 = 3.14063416
_C3 = -5.13681113
_C5 = 2.29924569


def _fast_sin_phase(p):
    big = p + _MAGIC
    n = big - _MAGIC
    u = p - n
    odd = lax.shift_left(lax.bitcast_convert_type(big, jnp.int32), 31)
    u = lax.bitcast_convert_type(
        lax.bitcast_convert_type(u, jnp.int32) ^ odd, jnp.float32)
    u2 = u * u
    return u * (_C1 + u2 * (_C3 + u2 * _C5))


def _sc_gather(latents, idx):
    B = idx.shape[0]
    L = latents.shape[1]
    mesh = plsc.VectorSubcoreMesh(core_axis_name="c", subcore_axis_name="s")

    @functools.partial(
        pl.kernel,
        out_type=jax.ShapeDtypeStruct((B, L), jnp.float32),
        mesh=mesh,
        scratch_types=[
            pltpu.VMEM((B,), jnp.int32),
            pltpu.VMEM((B, L), jnp.float32),
            pltpu.SemaphoreType.DMA,
        ],
    )
    def gather_kernel(table_hbm, idx_hbm, out_hbm, idx_v, rows_v, sem):
        first = (lax.axis_index("c") == 0) & (lax.axis_index("s") == 0)

        @pl.when(first)
        def _():
            pltpu.sync_copy(idx_hbm, idx_v)
            pltpu.async_copy(table_hbm.at[idx_v], rows_v, sem).wait()
            pltpu.sync_copy(rows_v, out_hbm)

    return gather_kernel(latents, idx)


def _trunk_body(x_ref, lat_ref, At_ref, Bt_ref, bias_ref, GM_ref, gb_ref,
                mut_ref, gamn_ref, WoutT_ref, bout_ref, out_ref):
    bf = jnp.bfloat16
    f32 = jnp.float32
    nn = (((1,), (0,)), ((), ()))
    H = At_ref.shape[1]

    lat = lat_ref[0].astype(bf)
    ll = [
        lax.dot_general(lat, Bt_ref[i], nn, preferred_element_type=f32)
        + bias_ref[i]
        for i in range(_NL + 1)
    ]

    x0 = x_ref[0, :, 0:1]
    x1 = x_ref[0, :, 1:2]
    xsq = x0 * x0 + x1 * x1
    xb = x_ref[0].astype(bf)

    def gabor(i):
        m0 = mut_ref[i, 0:1, :]
        m1 = mut_ref[i, 1:2, :]
        musq = m0 * m0 + m1 * m1
        sm = lax.dot_general(xb, GM_ref[i], nn, preferred_element_type=f32)
        e = jnp.exp2(((xsq + musq) - sm[:, H:]) * gamn_ref[i])
        return _fast_sin_phase(sm[:, :H] * _INV_PI + gb_ref[i]) * e

    z = gabor(0) * ll[0]
    for i in range(1, _NL + 1):
        zi = lax.dot_general(z.astype(bf), At_ref[i - 1],
                             (((1,), (0,)), ((), ())),
                             preferred_element_type=f32)
        z = (zi + ll[i]) * gabor(i)

    res = lax.dot_general(z.astype(bf), WoutT_ref[...],
                          (((1,), (0,)), ((), ())),
                          preferred_element_type=f32) + bout_ref[...]
    out_ref[...] = res[None]


def kernel(x, idx, latents, A0, A_rest, B_all, bias_all, gW, gb, mu, gamma,
           Wout, bout):
    del A0
    B, P, _ = x.shape
    H = A_rest.shape[1]
    L = B_all.shape[2]
    T = _TILE
    PT = P // T

    latent = _sc_gather(latents, idx)[:, None, :]

    At = A_rest.transpose(0, 2, 1).astype(jnp.bfloat16)
    Bt = B_all.transpose(0, 2, 1).astype(jnp.bfloat16)
    Wcat = gW.transpose(0, 2, 1).astype(jnp.bfloat16)
    mut = mu.transpose(0, 2, 1)
    Mcat = mut.astype(jnp.bfloat16) * jnp.bfloat16(2.0)
    GM = jnp.concatenate([Wcat, Mcat], axis=2)
    bias3 = bias_all[:, None, :]
    gb3 = gb[:, None, :] * jnp.float32(_INV_PI)
    gamn = gamma[:, None, :] * jnp.float32(-0.5 * 1.4426950408889634)
    WoutT = Wout.T.astype(jnp.bfloat16)
    bout2 = bout[None, :]

    full = lambda s: pl.BlockSpec(s, lambda b, p: (0,) * len(s))
    out = pl.pallas_call(
        _trunk_body,
        grid=(B, PT),
        in_specs=[
            pl.BlockSpec((1, T, 2), lambda b, p: (b, p, 0)),
            pl.BlockSpec((1, 1, L), lambda b, p: (b, 0, 0)),
            full((_NL, H, H)),
            full((_NL + 1, L, H)),
            full((_NL + 1, 1, H)),
            full((_NL + 1, 2, 2 * H)),
            full((_NL + 1, 1, H)),
            full((_NL + 1, 2, H)),
            full((_NL + 1, 1, H)),
            full((H, 1)),
            full((1, 1)),
        ],
        out_specs=pl.BlockSpec((1, T, 1), lambda b, p: (b, p, 0)),
        out_shape=jax.ShapeDtypeStruct((B, P, 1), jnp.float32),
        compiler_params=pltpu.CompilerParams(
            dimension_semantics=("parallel", "parallel"),
        ),
    )(x, latent, At, Bt, bias3, GM, gb3, mut, gamn, WoutT, bout2)
    return out

# --- scband reference (transcript-rebuilt; emitter-appended) ---
"""Pipeline reference for scband-mmgnet-27066883899996 (READ-ONLY COPY).

The authoritative reference and input builder live on the scoring server;
editing this copy changes nothing except your own understanding.
"""

import jax, jax.numpy as jnp
import numpy as np

B = 16; P = 4096; IN = 2; H = 256; L = 256; ND = 100000; NL = 7; OUT = 1
SCALE = 256.0 / np.sqrt(NL + 1)
ALPHA = 6.0 / (NL + 1)


def setup_inputs(seed: int = 0) -> dict:
    key = jax.random.key(seed)
    ks = jax.random.split(key, 16)
    x = jax.random.normal(ks[0], (B, P, IN), dtype=jnp.float32)
    idx = jax.random.randint(ks[1], (B,), 0, ND, dtype=jnp.int64) if jax.config.jax_enable_x64 else jax.random.randint(ks[1], (B,), 0, ND, dtype=jnp.int32)
    latents = jax.random.normal(ks[2], (ND, L), dtype=jnp.float32)
    A0 = jax.random.uniform(ks[3], (H, IN), minval=-1.0, maxval=1.0, dtype=jnp.float32) / np.sqrt(IN)
    A_rest = jax.random.uniform(ks[4], (NL, H, H), minval=-1.0, maxval=1.0, dtype=jnp.float32) / np.sqrt(H)
    B_all = jax.random.uniform(ks[5], (NL + 1, H, L), minval=-1.0, maxval=1.0, dtype=jnp.float32) / np.sqrt(L)
    bias_all = jax.random.uniform(ks[6], (NL + 1, H), minval=-1.0, maxval=1.0, dtype=jnp.float32) * 0.1
    gamma = jax.random.gamma(ks[7], ALPHA, (NL + 1, H)).astype(jnp.float32)
    gW = (jax.random.uniform(ks[8], (NL + 1, H, IN), minval=-1.0, maxval=1.0, dtype=jnp.float32) / np.sqrt(IN)) * SCALE * jnp.sqrt(gamma)[..., None]
    gb = jax.random.uniform(ks[9], (NL + 1, H), minval=-np.pi, maxval=np.pi, dtype=jnp.float32)
    mu = 2.0 * jax.random.uniform(ks[10], (NL + 1, H, IN), dtype=jnp.float32) - 1.0
    Wout = jax.random.uniform(ks[11], (OUT, H), minval=-1.0, maxval=1.0, dtype=jnp.float32) / np.sqrt(H)
    bout = jnp.zeros((OUT,), dtype=jnp.float32)
    return dict(x=x, idx=idx, latents=latents, A0=A0, A_rest=A_rest, B_all=B_all, bias_all=bias_all, gW=gW, gb=gb, mu=mu, gamma=gamma, Wout=Wout, bout=bout)


def _gabor(x, W, b, mu, gamma):
    D = ((x ** 2).sum(-1)[..., None] + (mu ** 2).sum(-1)[None, None, :] - 2.0 * (x @ mu.T)) * gamma[None, None, :]
    return jnp.sin(x @ W.T + b) * jnp.exp(-0.5 * D)


def _fuse(coord, latent, A, Bm, bias):
    lc = jnp.einsum('bpi,oi->bpo', coord, A)
    ll = jnp.einsum('bj,oj->bo', latent, Bm)[:, None, :]
    return lc + ll + bias


def reference(x, idx, latents, A0, A_rest, B_all, bias_all, gW, gb, mu, gamma, Wout, bout):
    latent = jnp.take(latents, idx, axis=0)  # gather: latent code per batch element
    zi = _gabor(x, gW[0], gb[0], mu[0], gamma[0]) * _fuse(x * 0.0, latent, A0, B_all[0], bias_all[0])
    for i in range(1, NL + 1):
        zi = _fuse(zi, latent, A_rest[i - 1], B_all[i], bias_all[i]) * _gabor(x, gW[i], gb[i], mu[i], gamma[i])
    return zi @ Wout.T + bout

if __name__ == "__main__":
    import jax
    _d = setup_inputs()
    print(jax.jit(kernel)(*tuple(_d.values())))

</pallas_src>

<mosaic_0001>
#map = affine_map<(d0, d1) -> (0, 0)>
#map1 = affine_map<(d0, d1) -> (0)>
module attributes {stable_mosaic.version = 14 : i64} {
  func.func @gather_kernel(%arg0: i32, %arg1: i32, %arg2: memref<100000x256xf32, #tpu.memory_space<hbm>>, %arg3: memref<16xi32, #tpu.memory_space<hbm>>, %arg4: memref<16x256xf32, #tpu.memory_space<hbm>>, %arg5: memref<16xi32, #tpu.memory_space<vmem>>, %arg6: memref<16x256xf32, #tpu.memory_space<vmem>>, %arg7: memref<!tpu.dma_semaphore, #tpu.memory_space<semaphore_mem>>) attributes {dimension_semantics = [#tpu.dimension_semantics<core_parallel>, #tpu.dimension_semantics<subcore_parallel>], iteration_bounds = array<i64: 2, 16>, scalar_prefetch = 0 : i64, scratch_operands = 3 : i64, tpu.core_type = #tpu.core_type<sc_vector_subcore>, window_params = [{transform_indices = #map}, {transform_indices = #map1}, {transform_indices = #map}]} {
    %eq3A = arith.constant 0 : i32
    %eq3A_0 = arith.cmpi eq, %arg0, %eq3A : i32
    %eq3A_1 = arith.constant 0 : i32
    %eq3A_2 = arith.cmpi eq, %arg1, %eq3A_1 : i32
    %and3A = arith.andi %eq3A_0, %eq3A_2 : i1
    %convert_element_type3A = arith.extui %and3A : i1 to i32
    %cond3A = arith.constant 0 : i32
    %cond3A_3 = arith.cmpi ne, %convert_element_type3A, %cond3A : i32
    scf.if %cond3A_3 {
      "tpu.region"() ({
        %run_scoped3A = tpu.sem_alloc : memref<!tpu.dma_semaphore, #tpu.memory_space<semaphore_mem>>
        tpu.enqueue_dma source(%arg3 : memref<16xi32, #tpu.memory_space<hbm>>) target(%arg5 : memref<16xi32, #tpu.memory_space<vmem>>) target_semaphore(%run_scoped3A : memref<!tpu.dma_semaphore, #tpu.memory_space<semaphore_mem>>)
        tpu.wait_dma2 semaphore(%run_scoped3A : memref<!tpu.dma_semaphore, #tpu.memory_space<semaphore_mem>>) src(%arg3 : memref<16xi32, #tpu.memory_space<hbm>>) dst(%arg5 : memref<16xi32, #tpu.memory_space<vmem>>)
        tpu.yield
      }) : () -> ()
      %dma_start3A = arith.constant 0 : i32
      %dma_start3A_4 = arith.constant 0 : i32
      %dma_start3A_5 = tpu.memref_slice %arg2[%dma_start3A, %dma_start3A_4] : memref<100000x256xf32, #tpu.memory_space<hbm>> -> memref<100000x256xf32, #tpu.memory_space<hbm>>
      tpu.enqueue_indirect_dma source(%dma_start3A_5 : memref<100000x256xf32, #tpu.memory_space<hbm>>) target(%arg6 : memref<16x256xf32, #tpu.memory_space<vmem>>) offsets(%arg5 : memref<16xi32, #tpu.memory_space<vmem>>) semaphore(%arg7 : memref<!tpu.dma_semaphore, #tpu.memory_space<semaphore_mem>>)
      %dma_wait3A = arith.constant 0 : i32
      %dma_wait3A_6 = arith.constant 0 : i32
      %dma_wait3A_7 = tpu.memref_slice %arg2[%dma_wait3A, %dma_wait3A_6] : memref<100000x256xf32, #tpu.memory_space<hbm>> -> memref<100000x256xf32, #tpu.memory_space<hbm>>
      tpu.wait_indirect_dma semaphore(%arg7 : memref<!tpu.dma_semaphore, #tpu.memory_space<semaphore_mem>>) src(%dma_wait3A_7 : memref<100000x256xf32, #tpu.memory_space<hbm>>) dst(%arg6 : memref<16x256xf32, #tpu.memory_space<vmem>>)
      "tpu.region"() ({
        %run_scoped3A = tpu.sem_alloc : memref<!tpu.dma_semaphore, #tpu.memory_space<semaphore_mem>>
        tpu.enqueue_dma source(%arg6 : memref<16x256xf32, #tpu.memory_space<vmem>>) target(%arg4 : memref<16x256xf32, #tpu.memory_space<hbm>>) target_semaphore(%run_scoped3A : memref<!tpu.dma_semaphore, #tpu.memory_space<semaphore_mem>>)
        tpu.wait_dma2 semaphore(%run_scoped3A : memref<!tpu.dma_semaphore, #tpu.memory_space<semaphore_mem>>) src(%arg6 : memref<16x256xf32, #tpu.memory_space<vmem>>) dst(%arg4 : memref<16x256xf32, #tpu.memory_space<hbm>>)
        tpu.yield
      }) : () -> ()
    } else {
    }
    return
  }
}

module attributes {stable_mosaic.version = 14 : i64} {
  func.func @_trunk_body(%arg0: i32, %arg1: i32, %arg2: memref<1x4096x2xf32, #tpu.memory_space<vmem>>, %arg3: memref<1x1x256xf32, #tpu.memory_space<vmem>>, %arg4: memref<7x256x256xbf16, #tpu.memory_space<vmem>>, %arg5: memref<8x256x256xbf16, #tpu.memory_space<vmem>>, %arg6: memref<8x1x256xf32, #tpu.memory_space<vmem>>, %arg7: memref<8x2x512xbf16, #tpu.memory_space<vmem>>, %arg8: memref<8x1x256xf32, #tpu.memory_space<vmem>>, %arg9: memref<8x2x256xf32, #tpu.memory_space<vmem>>, %arg10: memref<8x1x256xf32, #tpu.memory_space<vmem>>, %arg11: memref<256x1xbf16, #tpu.memory_space<vmem>>, %arg12: memref<1x1xf32, #tpu.memory_space<vmem>>, %arg13: memref<1x4096x1xf32, #tpu.memory_space<vmem>>) attributes {dimension_semantics = [#tpu.dimension_semantics<parallel>, #tpu.dimension_semantics<parallel>], iteration_bounds = array<i64: 16, 1>, scalar_prefetch = 0 : i64, scratch_operands = 0 : i64, tpu.core_type = #tpu.core_type<tc>, window_params = [{transform_indices = @transform_0, window_bounds = array<i64: 1, 4096, 2>}, {transform_indices = @transform_1, window_bounds = array<i64: 1, 1, 256>}, {pipeline_mode = #tpu.pipeline_mode<synchronous>, transform_indices = @transform_2, window_bounds = array<i64: 7, 256, 256>}, {pipeline_mode = #tpu.pipeline_mode<synchronous>, transform_indices = @transform_3, window_bounds = array<i64: 8, 256, 256>}, {pipeline_mode = #tpu.pipeline_mode<synchronous>, transform_indices = @transform_4, window_bounds = array<i64: 8, 1, 256>}, {pipeline_mode = #tpu.pipeline_mode<synchronous>, transform_indices = @transform_5, window_bounds = array<i64: 8, 2, 512>}, {pipeline_mode = #tpu.pipeline_mode<synchronous>, transform_indices = @transform_6, window_bounds = array<i64: 8, 1, 256>}, {pipeline_mode = #tpu.pipeline_mode<synchronous>, transform_indices = @transform_7, window_bounds = array<i64: 8, 2, 256>}, {pipeline_mode = #tpu.pipeline_mode<synchronous>, transform_indices = @transform_8, window_bounds = array<i64: 8, 1, 256>}, {pipeline_mode = #tpu.pipeline_mode<synchronous>, transform_indices = @transform_9, window_bounds = array<i64: 256, 1>}, {pipeline_mode = #tpu.pipeline_mode<synchronous>, transform_indices = @transform_10, window_bounds = array<i64: 1, 1>}, {transform_indices = @transform_11, window_bounds = array<i64: 1, 4096, 1>}]} {
    %get3A = arith.constant 0 : index
    %get3A_0 = arith.constant 0 : index
    %get3A_1 = arith.constant 0 : index
    %get3A_2 = vector.load %arg3[%get3A, %get3A_0, %get3A_1] : memref<1x1x256xf32, #tpu.memory_space<vmem>>, vector<1x1x256xf32>
    %get3A_3 = vector.shape_cast %get3A_2 : vector<1x1x256xf32> to vector<1x256xf32>
    %convert_element_type3A = arith.truncf %get3A_3 : vector<1x256xf32> to vector<1x256xbf16>
    %get3A_4 = arith.constant 0 : index
    %get3A_5 = arith.constant 0 : index
    %get3A_6 = arith.constant 0 : index
    %get3A_7 = vector.load %arg5[%get3A_4, %get3A_5, %get3A_6] : memref<8x256x256xbf16, #tpu.memory_space<vmem>>, vector<1x256x256xbf16>
    %get3A_8 = vector.shape_cast %get3A_7 : vector<1x256x256xbf16> to vector<256x256xbf16>
    %dot_general3A = arith.constant dense<0.000000e+00> : vector<1x256xf32>
    %dot_general3A_9 = tpu.matmul %convert_element_type3A, %get3A_8, %dot_general3A {dimension_numbers = #tpu.dot_dimension_numbers<[1], [0], [0], [1], [0, 0, 1, 1], [], []>, transpose_lhs_hint = false} : vector<1x256xbf16>, vector<256x256xbf16>, vector<1x256xf32> -> vector<1x256xf32>
    %get3A_10 = arith.constant 0 : index
    %get3A_11 = arith.constant 0 : index
    %get3A_12 = arith.constant 0 : index
    %get3A_13 = vector.load %arg6[%get3A_10, %get3A_11, %get3A_12] : memref<8x1x256xf32, #tpu.memory_space<vmem>>, vector<1x1x256xf32>
    %get3A_14 = vector.shape_cast %get3A_13 : vector<1x1x256xf32> to vector<1x256xf32>
    %add3A = arith.addf %dot_general3A_9, %get3A_14 : vector<1x256xf32>
    %get3A_15 = arith.constant 1 : index
    %get3A_16 = arith.constant 0 : index
    %get3A_17 = arith.constant 0 : index
    %get3A_18 = vector.load %arg5[%get3A_15, %get3A_16, %get3A_17] : memref<8x256x256xbf16, #tpu.memory_space<vmem>>, vector<1x256x256xbf16>
    %get3A_19 = vector.shape_cast %get3A_18 : vector<1x256x256xbf16> to vector<256x256xbf16>
    %dot_general3A_20 = arith.constant dense<0.000000e+00> : vector<1x256xf32>
    %dot_general3A_21 = tpu.matmul %convert_element_type3A, %get3A_19, %dot_general3A_20 {dimension_numbers = #tpu.dot_dimension_numbers<[1], [0], [0], [1], [0, 0, 1, 1], [], []>, transpose_lhs_hint = false} : vector<1x256xbf16>, vector<256x256xbf16>, vector<1x256xf32> -> vector<1x256xf32>
    %get3A_22 = arith.constant 1 : index
    %get3A_23 = arith.constant 0 : index
    %get3A_24 = arith.constant 0 : index
    %get3A_25 = vector.load %arg6[%get3A_22, %get3A_23, %get3A_24] : memref<8x1x256xf32, #tpu.memory_space<vmem>>, vector<1x1x256xf32>
    %get3A_26 = vector.shape_cast %get3A_25 : vector<1x1x256xf32> to vector<1x256xf32>
    %add3A_27 = arith.addf %dot_general3A_21, %get3A_26 : vector<1x256xf32>
    %get3A_28 = arith.constant 2 : index
    %get3A_29 = arith.constant 0 : index
    %get3A_30 = arith.constant 0 : index
    %get3A_31 = vector.load %arg5[%get3A_28, %get3A_29, %get3A_30] : memref<8x256x256xbf16, #tpu.memory_space<vmem>>, vector<1x256x256xbf16>
    %get3A_32 = vector.shape_cast %get3A_31 : vector<1x256x256xbf16> to vector<256x256xbf16>
    %dot_general3A_33 = arith.constant dense<0.000000e+00> : vector<1x256xf32>
    %dot_general3A_34 = tpu.matmul %convert_element_type3A, %get3A_32, %dot_general3A_33 {dimension_numbers = #tpu.dot_dimension_numbers<[1], [0], [0], [1], [0, 0, 1, 1], [], []>, transpose_lhs_hint = false} : vector<1x256xbf16>, vector<256x256xbf16>, vector<1x256xf32> -> vector<1x256xf32>
    %get3A_35 = arith.constant 2 : index
    %get3A_36 = arith.constant 0 : index
    %get3A_37 = arith.constant 0 : index
    %get3A_38 = vector.load %arg6[%get3A_35, %get3A_36, %get3A_37] : memref<8x1x256xf32, #tpu.memory_space<vmem>>, vector<1x1x256xf32>
    %get3A_39 = vector.shape_cast %get3A_38 : vector<1x1x256xf32> to vector<1x256xf32>
    %add3A_40 = arith.addf %dot_general3A_34, %get3A_39 : vector<1x256xf32>
    %get3A_41 = arith.constant 3 : index
    %get3A_42 = arith.constant 0 : index
    %get3A_43 = arith.constant 0 : index
    %get3A_44 = vector.load %arg5[%get3A_41, %get3A_42, %get3A_43] : memref<8x256x256xbf16, #tpu.memory_space<vmem>>, vector<1x256x256xbf16>
    %get3A_45 = vector.shape_cast %get3A_44 : vector<1x256x256xbf16> to vector<256x256xbf16>
    %dot_general3A_46 = arith.constant dense<0.000000e+00> : vector<1x256xf32>
    %dot_general3A_47 = tpu.matmul %convert_element_type3A, %get3A_45, %dot_general3A_46 {dimension_numbers = #tpu.dot_dimension_numbers<[1], [0], [0], [1], [0, 0, 1, 1], [], []>, transpose_lhs_hint = false} : vector<1x256xbf16>, vector<256x256xbf16>, vector<1x256xf32> -> vector<1x256xf32>
    %get3A_48 = arith.constant 3 : index
    %get3A_49 = arith.constant 0 : index
    %get3A_50 = arith.constant 0 : index
    %get3A_51 = vector.load %arg6[%get3A_48, %get3A_49, %get3A_50] : memref<8x1x256xf32, #tpu.memory_space<vmem>>, vector<1x1x256xf32>
    %get3A_52 = vector.shape_cast %get3A_51 : vector<1x1x256xf32> to vector<1x256xf32>
    %add3A_53 = arith.addf %dot_general3A_47, %get3A_52 : vector<1x256xf32>
    %get3A_54 = arith.constant 4 : index
    %get3A_55 = arith.constant 0 : index
    %get3A_56 = arith.constant 0 : index
    %get3A_57 = vector.load %arg5[%get3A_54, %get3A_55, %get3A_56] : memref<8x256x256xbf16, #tpu.memory_space<vmem>>, vector<1x256x256xbf16>
    %get3A_58 = vector.shape_cast %get3A_57 : vector<1x256x256xbf16> to vector<256x256xbf16>
    %dot_general3A_59 = arith.constant dense<0.000000e+00> : vector<1x256xf32>
    %dot_general3A_60 = tpu.matmul %convert_element_type3A, %get3A_58, %dot_general3A_59 {dimension_numbers = #tpu.dot_dimension_numbers<[1], [0], [0], [1], [0, 0, 1, 1], [], []>, transpose_lhs_hint = false} : vector<1x256xbf16>, vector<256x256xbf16>, vector<1x256xf32> -> vector<1x256xf32>
    %get3A_61 = arith.constant 4 : index
    %get3A_62 = arith.constant 0 : index
    %get3A_63 = arith.constant 0 : index
    %get3A_64 = vector.load %arg6[%get3A_61, %get3A_62, %get3A_63] : memref<8x1x256xf32, #tpu.memory_space<vmem>>, vector<1x1x256xf32>
    %get3A_65 = vector.shape_cast %get3A_64 : vector<1x1x256xf32> to vector<1x256xf32>
    %add3A_66 = arith.addf %dot_general3A_60, %get3A_65 : vector<1x256xf32>
    %get3A_67 = arith.constant 5 : index
    %get3A_68 = arith.constant 0 : index
    %get3A_69 = arith.constant 0 : index
    %get3A_70 = vector.load %arg5[%get3A_67, %get3A_68, %get3A_69] : memref<8x256x256xbf16, #tpu.memory_space<vmem>>, vector<1x256x256xbf16>
    %get3A_71 = vector.shape_cast %get3A_70 : vector<1x256x256xbf16> to vector<256x256xbf16>
    %dot_general3A_72 = arith.constant dense<0.000000e+00> : vector<1x256xf32>
    %dot_general3A_73 = tpu.matmul %convert_element_type3A, %get3A_71, %dot_general3A_72 {dimension_numbers = #tpu.dot_dimension_numbers<[1], [0], [0], [1], [0, 0, 1, 1], [], []>, transpose_lhs_hint = false} : vector<1x256xbf16>, vector<256x256xbf16>, vector<1x256xf32> -> vector<1x256xf32>
    %get3A_74 = arith.constant 5 : index
    %get3A_75 = arith.constant 0 : index
    %get3A_76 = arith.constant 0 : index
    %get3A_77 = vector.load %arg6[%get3A_74, %get3A_75, %get3A_76] : memref<8x1x256xf32, #tpu.memory_space<vmem>>, vector<1x1x256xf32>
    %get3A_78 = vector.shape_cast %get3A_77 : vector<1x1x256xf32> to vector<1x256xf32>
    %add3A_79 = arith.addf %dot_general3A_73, %get3A_78 : vector<1x256xf32>
    %get3A_80 = arith.constant 6 : index
    %get3A_81 = arith.constant 0 : index
    %get3A_82 = arith.constant 0 : index
    %get3A_83 = vector.load %arg5[%get3A_80, %get3A_81, %get3A_82] : memref<8x256x256xbf16, #tpu.memory_space<vmem>>, vector<1x256x256xbf16>
    %get3A_84 = vector.shape_cast %get3A_83 : vector<1x256x256xbf16> to vector<256x256xbf16>
    %dot_general3A_85 = arith.constant dense<0.000000e+00> : vector<1x256xf32>
    %dot_general3A_86 = tpu.matmul %convert_element_type3A, %get3A_84, %dot_general3A_85 {dimension_numbers = #tpu.dot_dimension_numbers<[1], [0], [0], [1], [0, 0, 1, 1], [], []>, transpose_lhs_hint = false} : vector<1x256xbf16>, vector<256x256xbf16>, vector<1x256xf32> -> vector<1x256xf32>
    %get3A_87 = arith.constant 6 : index
    %get3A_88 = arith.constant 0 : index
    %get3A_89 = arith.constant 0 : index
    %get3A_90 = vector.load %arg6[%get3A_87, %get3A_88, %get3A_89] : memref<8x1x256xf32, #tpu.memory_space<vmem>>, vector<1x1x256xf32>
    %get3A_91 = vector.shape_cast %get3A_90 : vector<1x1x256xf32> to vector<1x256xf32>
    %add3A_92 = arith.addf %dot_general3A_86, %get3A_91 : vector<1x256xf32>
    %get3A_93 = arith.constant 7 : index
    %get3A_94 = arith.constant 0 : index
    %get3A_95 = arith.constant 0 : index
    %get3A_96 = vector.load %arg5[%get3A_93, %get3A_94, %get3A_95] : memref<8x256x256xbf16, #tpu.memory_space<vmem>>, vector<1x256x256xbf16>
    %get3A_97 = vector.shape_cast %get3A_96 : vector<1x256x256xbf16> to vector<256x256xbf16>
    %dot_general3A_98 = arith.constant dense<0.000000e+00> : vector<1x256xf32>
    %dot_general3A_99 = tpu.matmul %convert_element_type3A, %get3A_97, %dot_general3A_98 {dimension_numbers = #tpu.dot_dimension_numbers<[1], [0], [0], [1], [0, 0, 1, 1], [], []>, transpose_lhs_hint = false} : vector<1x256xbf16>, vector<256x256xbf16>, vector<1x256xf32> -> vector<1x256xf32>
    %get3A_100 = arith.constant 7 : index
    %get3A_101 = arith.constant 0 : index
    %get3A_102 = arith.constant 0 : index
    %get3A_103 = vector.load %arg6[%get3A_100, %get3A_101, %get3A_102] : memref<8x1x256xf32, #tpu.memory_space<vmem>>, vector<1x1x256xf32>
    %get3A_104 = vector.shape_cast %get3A_103 : vector<1x1x256xf32> to vector<1x256xf32>
    %add3A_105 = arith.addf %dot_general3A_99, %get3A_104 : vector<1x256xf32>
    %get3A_106 = arith.constant 0 : index
    %get3A_107 = arith.constant 0 : index
    %get3A_108 = arith.constant 0 : index
    %get3A_109 = vector.load %arg2[%get3A_106, %get3A_107, %get3A_108] : memref<1x4096x2xf32, #tpu.memory_space<vmem>>, vector<1x4096x1xf32>
    %get3A_110 = vector.shape_cast %get3A_109 : vector<1x4096x1xf32> to vector<4096x1xf32>
    %get3A_111 = arith.constant 0 : index
    %get3A_112 = arith.constant 0 : index
    %get3A_113 = arith.constant 1 : index
    %get3A_114 = vector.load %arg2[%get3A_111, %get3A_112, %get3A_113] : memref<1x4096x2xf32, #tpu.memory_space<vmem>>, vector<1x4096x1xf32>
    %get3A_115 = vector.shape_cast %get3A_114 : vector<1x4096x1xf32> to vector<4096x1xf32>
    %mul3A = arith.mulf %get3A_110, %get3A_110 : vector<4096x1xf32>
    %mul3A_116 = arith.mulf %get3A_115, %get3A_115 : vector<4096x1xf32>
    %add3A_117 = arith.addf %mul3A, %mul3A_116 : vector<4096x1xf32>
    %get3A_118 = arith.constant 0 : index
    %get3A_119 = arith.constant 0 : index
    %get3A_120 = arith.constant 0 : index
    %get3A_121 = vector.load %arg2[%get3A_118, %get3A_119, %get3A_120] : memref<1x4096x2xf32, #tpu.memory_space<vmem>>, vector<1x4096x2xf32>
    %get3A_122 = vector.shape_cast %get3A_121 : vector<1x4096x2xf32> to vector<4096x2xf32>
    %convert_element_type3A_123 = arith.truncf %get3A_122 : vector<4096x2xf32> to vector<4096x2xbf16>
    %get3A_124 = arith.constant 0 : index
    %get3A_125 = arith.constant 0 : index
    %get3A_126 = arith.constant 0 : index
    %get3A_127 = vector.load %arg9[%get3A_124, %get3A_125, %get3A_126] : memref<8x2x256xf32, #tpu.memory_space<vmem>>, vector<1x1x256xf32>
    %get3A_128 = vector.shape_cast %get3A_127 : vector<1x1x256xf32> to vector<1x256xf32>
    %get3A_129 = arith.constant 0 : index
    %get3A_130 = arith.constant 1 : index
    %get3A_131 = arith.constant 0 : index
    %get3A_132 = vector.load %arg9[%get3A_129, %get3A_130, %get3A_131] : memref<8x2x256xf32, #tpu.memory_space<vmem>>, vector<1x1x256xf32>
    %get3A_133 = vector.shape_cast %get3A_132 : vector<1x1x256xf32> to vector<1x256xf32>
    %mul3A_134 = arith.mulf %get3A_128, %get3A_128 : vector<1x256xf32>
    %mul3A_135 = arith.mulf %get3A_133, %get3A_133 : vector<1x256xf32>
    %add3A_136 = arith.addf %mul3A_134, %mul3A_135 : vector<1x256xf32>
    %get3A_137 = arith.constant 0 : index
    %get3A_138 = arith.constant 0 : index
    %get3A_139 = arith.constant 0 : index
    %get3A_140 = vector.load %arg7[%get3A_137, %get3A_138, %get3A_139] : memref<8x2x512xbf16, #tpu.memory_space<vmem>>, vector<1x2x512xbf16>
    %get3A_141 = vector.shape_cast %get3A_140 : vector<1x2x512xbf16> to vector<2x512xbf16>
    %dot_general3A_142 = arith.constant dense<0.000000e+00> : vector<4096x512xf32>
    %dot_general3A_143 = tpu.matmul %convert_element_type3A_123, %get3A_141, %dot_general3A_142 {dimension_numbers = #tpu.dot_dimension_numbers<[1], [0], [0], [1], [0, 0, 1, 1], [], []>, transpose_lhs_hint = false} : vector<4096x2xbf16>, vector<2x512xbf16>, vector<4096x512xf32> -> vector<4096x512xf32>
    %add3A_144 = vector.broadcast %add3A_117 : vector<4096x1xf32> to vector<4096x256xf32>
    %add3A_145 = vector.broadcast %add3A_136 : vector<1x256xf32> to vector<4096x256xf32>
    %add3A_146 = arith.addf %add3A_144, %add3A_145 : vector<4096x256xf32>
    %slice3A = vector.extract_strided_slice %dot_general3A_143 {offsets = [0, 256], sizes = [4096, 256], strides = [1, 1]} : vector<4096x512xf32> to vector<4096x256xf32>
    %sub3A = arith.subf %add3A_146, %slice3A : vector<4096x256xf32>
    %get3A_147 = arith.constant 0 : index
    %get3A_148 = arith.constant 0 : index
    %get3A_149 = arith.constant 0 : index
    %get3A_150 = vector.load %arg10[%get3A_147, %get3A_148, %get3A_149] : memref<8x1x256xf32, #tpu.memory_space<vmem>>, vector<1x1x256xf32>
    %get3A_151 = vector.shape_cast %get3A_150 : vector<1x1x256xf32> to vector<1x256xf32>
    %mul3A_152 = vector.broadcast %get3A_151 : vector<1x256xf32> to vector<4096x256xf32>
    %mul3A_153 = arith.mulf %sub3A, %mul3A_152 : vector<4096x256xf32>
    %exp23A = math.exp2 %mul3A_153 : vector<4096x256xf32>
    %slice3A_154 = vector.extract_strided_slice %dot_general3A_143 {offsets = [0, 0], sizes = [4096, 256], strides = [1, 1]} : vector<4096x512xf32> to vector<4096x256xf32>
    %mul3A_155 = arith.constant 0.318309873 : f32
    %mul3A_156 = vector.broadcast %mul3A_155 : f32 to vector<4096x256xf32>
    %mul3A_157 = arith.mulf %slice3A_154, %mul3A_156 : vector<4096x256xf32>
    %get3A_158 = arith.constant 0 : index
    %get3A_159 = arith.constant 0 : index
    %get3A_160 = arith.constant 0 : index
    %get3A_161 = vector.load %arg8[%get3A_158, %get3A_159, %get3A_160] : memref<8x1x256xf32, #tpu.memory_space<vmem>>, vector<1x1x256xf32>
    %get3A_162 = vector.shape_cast %get3A_161 : vector<1x1x256xf32> to vector<1x256xf32>
    %add3A_163 = vector.broadcast %get3A_162 : vector<1x256xf32> to vector<4096x256xf32>
    %add3A_164 = arith.addf %mul3A_157, %add3A_163 : vector<4096x256xf32>
    %add3A_165 = arith.constant 0x4B400000 : f32
    %add3A_166 = vector.broadcast %add3A_165 : f32 to vector<4096x256xf32>
    %add3A_167 = arith.addf %add3A_164, %add3A_166 : vector<4096x256xf32>
    %sub3A_168 = arith.constant 0x4B400000 : f32
    %sub3A_169 = vector.broadcast %sub3A_168 : f32 to vector<4096x256xf32>
    %sub3A_170 = arith.subf %add3A_167, %sub3A_169 : vector<4096x256xf32>
    %sub3A_171 = arith.subf %add3A_164, %sub3A_170 : vector<4096x256xf32>
    %bitcast_convert_type3A = tpu.bitcast %add3A_167 : vector<4096x256xf32> -> vector<4096x256xi32>
    %shift_left3A = arith.constant 31 : i32
    %shift_left3A_172 = vector.broadcast %shift_left3A : i32 to vector<4096x256xi32>
    %shift_left3A_173 = arith.shli %bitcast_convert_type3A, %shift_left3A_172 : vector<4096x256xi32>
    %bitcast_convert_type3A_174 = tpu.bitcast %sub3A_171 : vector<4096x256xf32> -> vector<4096x256xi32>
    %xor3A = arith.xori %bitcast_convert_type3A_174, %shift_left3A_173 : vector<4096x256xi32>
    %bitcast_convert_type3A_175 = tpu.bitcast %xor3A : vector<4096x256xi32> -> vector<4096x256xf32>
    %mul3A_176 = arith.mulf %bitcast_convert_type3A_175, %bitcast_convert_type3A_175 : vector<4096x256xf32>
    %mul3A_177 = arith.constant 2.2992456 : f32
    %mul3A_178 = vector.broadcast %mul3A_177 : f32 to vector<4096x256xf32>
    %mul3A_179 = arith.mulf %mul3A_176, %mul3A_178 : vector<4096x256xf32>
    %add3A_180 = arith.constant -5.13681126 : f32
    %add3A_181 = vector.broadcast %add3A_180 : f32 to vector<4096x256xf32>
    %add3A_182 = arith.addf %add3A_181, %mul3A_179 : vector<4096x256xf32>
    %mul3A_183 = arith.mulf %mul3A_176, %add3A_182 : vector<4096x256xf32>
    %add3A_184 = arith.constant 3.14063406 : f32
    %add3A_185 = vector.broadcast %add3A_184 : f32 to vector<4096x256xf32>
    %add3A_186 = arith.addf %add3A_185, %mul3A_183 : vector<4096x256xf32>
    %mul3A_187 = arith.mulf %bitcast_convert_type3A_175, %add3A_186 : vector<4096x256xf32>
    %mul3A_188 = arith.mulf %mul3A_187, %exp23A : vector<4096x256xf32>
    %mul3A_189 = vector.broadcast %add3A : vector<1x256xf32> to vector<4096x256xf32>
    %mul3A_190 = arith.mulf %mul3A_188, %mul3A_189 : vector<4096x256xf32>
    %convert_element_type3A_191 = arith.truncf %mul3A_190 : vector<4096x256xf32> to vector<4096x256xbf16>
    %get3A_192 = arith.constant 0 : index
    %get3A_193 = arith.constant 0 : index
    %get3A_194 = arith.constant 0 : index
    %get3A_195 = vector.load %arg4[%get3A_192, %get3A_193, %get3A_194] : memref<7x256x256xbf16, #tpu.memory_space<vmem>>, vector<1x256x256xbf16>
    %get3A_196 = vector.shape_cast %get3A_195 : vector<1x256x256xbf16> to vector<256x256xbf16>
    %dot_general3A_197 = arith.constant dense<0.000000e+00> : vector<4096x256xf32>
    %dot_general3A_198 = tpu.matmul %convert_element_type3A_191, %get3A_196, %dot_general3A_197 {dimension_numbers = #tpu.dot_dimension_numbers<[1], [0], [0], [1], [0, 0, 1, 1], [], []>, transpose_lhs_hint = false} : vector<4096x256xbf16>, vector<256x256xbf16>, vector<4096x256xf32> -> vector<4096x256xf32>
    %add3A_199 = vector.broadcast %add3A_27 : vector<1x256xf32> to vector<4096x256xf32>
    %add3A_200 = arith.addf %dot_general3A_198, %add3A_199 : vector<4096x256xf32>
    %get3A_201 = arith.constant 1 : index
    %get3A_202 = arith.constant 0 : index
    %get3A_203 = arith.constant 0 : index
    %get3A_204 = vector.load %arg9[%get3A_201, %get3A_202, %get3A_203] : memref<8x2x256xf32, #tpu.memory_space<vmem>>, vector<1x1x256xf32>
    %get3A_205 = vector.shape_cast %get3A_204 : vector<1x1x256xf32> to vector<1x256xf32>
    %get3A_206 = arith.constant 1 : index
    %get3A_207 = arith.constant 1 : index
    %get3A_208 = arith.constant 0 : index
    %get3A_209 = vector.load %arg9[%get3A_206, %get3A_207, %get3A_208] : memref<8x2x256xf32, #tpu.memory_space<vmem>>, vector<1x1x256xf32>
    %get3A_210 = vector.shape_cast %get3A_209 : vector<1x1x256xf32> to vector<1x256xf32>
    %mul3A_211 = arith.mulf %get3A_205, %get3A_205 : vector<1x256xf32>
    %mul3A_212 = arith.mulf %get3A_210, %get3A_210 : vector<1x256xf32>
    %add3A_213 = arith.addf %mul3A_211, %mul3A_212 : vector<1x256xf32>
    %get3A_214 = arith.constant 1 : index
    %get3A_215 = arith.constant 0 : index
    %get3A_216 = arith.constant 0 : index
    %get3A_217 = vector.load %arg7[%get3A_214, %get3A_215, %get3A_216] : memref<8x2x512xbf16, #tpu.memory_space<vmem>>, vector<1x2x512xbf16>
    %get3A_218 = vector.shape_cast %get3A_217 : vector<1x2x512xbf16> to vector<2x512xbf16>
    %dot_general3A_219 = arith.constant dense<0.000000e+00> : vector<4096x512xf32>
    %dot_general3A_220 = tpu.matmul %convert_element_type3A_123, %get3A_218, %dot_general3A_219 {dimension_numbers = #tpu.dot_dimension_numbers<[1], [0], [0], [1], [0, 0, 1, 1], [], []>, transpose_lhs_hint = false} : vector<4096x2xbf16>, vector<2x512xbf16>, vector<4096x512xf32> -> vector<4096x512xf32>
    %add3A_221 = vector.broadcast %add3A_117 : vector<4096x1xf32> to vector<4096x256xf32>
    %add3A_222 = vector.broadcast %add3A_213 : vector<1x256xf32> to vector<4096x256xf32>
    %add3A_223 = arith.addf %add3A_221, %add3A_222 : vector<4096x256xf32>
    %slice3A_224 = vector.extract_strided_slice %dot_general3A_220 {offsets = [0, 256], sizes = [4096, 256], strides = [1, 1]} : vector<4096x512xf32> to vector<4096x256xf32>
    %sub3A_225 = arith.subf %add3A_223, %slice3A_224 : vector<4096x256xf32>
    %get3A_226 = arith.constant 1 : index
    %get3A_227 = arith.constant 0 : index
    %get3A_228 = arith.constant 0 : index
    %get3A_229 = vector.load %arg10[%get3A_226, %get3A_227, %get3A_228] : memref<8x1x256xf32, #tpu.memory_space<vmem>>, vector<1x1x256xf32>
    %get3A_230 = vector.shape_cast %get3A_229 : vector<1x1x256xf32> to vector<1x256xf32>
    %mul3A_231 = vector.broadcast %get3A_230 : vector<1x256xf32> to vector<4096x256xf32>
    %mul3A_232 = arith.mulf %sub3A_225, %mul3A_231 : vector<4096x256xf32>
    %exp23A_233 = math.exp2 %mul3A_232 : vector<4096x256xf32>
    %slice3A_234 = vector.extract_strided_slice %dot_general3A_220 {offsets = [0, 0], sizes = [4096, 256], strides = [1, 1]} : vector<4096x512xf32> to vector<4096x256xf32>
    %mul3A_235 = arith.constant 0.318309873 : f32
    %mul3A_236 = vector.broadcast %mul3A_235 : f32 to vector<4096x256xf32>
    %mul3A_237 = arith.mulf %slice3A_234, %mul3A_236 : vector<4096x256xf32>
    %get3A_238 = arith.constant 1 : index
    %get3A_239 = arith.constant 0 : index
    %get3A_240 = arith.constant 0 : index
    %get3A_241 = vector.load %arg8[%get3A_238, %get3A_239, %get3A_240] : memref<8x1x256xf32, #tpu.memory_space<vmem>>, vector<1x1x256xf32>
    %get3A_242 = vector.shape_cast %get3A_241 : vector<1x1x256xf32> to vector<1x256xf32>
    %add3A_243 = vector.broadcast %get3A_242 : vector<1x256xf32> to vector<4096x256xf32>
    %add3A_244 = arith.addf %mul3A_237, %add3A_243 : vector<4096x256xf32>
    %add3A_245 = arith.constant 0x4B400000 : f32
    %add3A_246 = vector.broadcast %add3A_245 : f32 to vector<4096x256xf32>
    %add3A_247 = arith.addf %add3A_244, %add3A_246 : vector<4096x256xf32>
    %sub3A_248 = arith.constant 0x4B400000 : f32
    %sub3A_249 = vector.broadcast %sub3A_248 : f32 to vector<4096x256xf32>
    %sub3A_250 = arith.subf %add3A_247, %sub3A_249 : vector<4096x256xf32>
    %sub3A_251 = arith.subf %add3A_244, %sub3A_250 : vector<4096x256xf32>
    %bitcast_convert_type3A_252 = tpu.bitcast %add3A_247 : vector<4096x256xf32> -> vector<4096x256xi32>
    %shift_left3A_253 = arith.constant 31 : i32
    %shift_left3A_254 = vector.broadcast %shift_left3A_253 : i32 to vector<4096x256xi32>
    %shift_left3A_255 = arith.shli %bitcast_convert_type3A_252, %shift_left3A_254 : vector<4096x256xi32>
    %bitcast_convert_type3A_256 = tpu.bitcast %sub3A_251 : vector<4096x256xf32> -> vector<4096x256xi32>
    %xor3A_257 = arith.xori %bitcast_convert_type3A_256, %shift_left3A_255 : vector<4096x256xi32>
    %bitcast_convert_type3A_258 = tpu.bitcast %xor3A_257 : vector<4096x256xi32> -> vector<4096x256xf32>
    %mul3A_259 = arith.mulf %bitcast_convert_type3A_258, %bitcast_convert_type3A_258 : vector<4096x256xf32>
    %mul3A_260 = arith.constant 2.2992456 : f32
    %mul3A_261 = vector.broadcast %mul3A_260 : f32 to vector<4096x256xf32>
    %mul3A_262 = arith.mulf %mul3A_259, %mul3A_261 : vector<4096x256xf32>
    %add3A_263 = arith.constant -5.13681126 : f32
    %add3A_264 = vector.broadcast %add3A_263 : f32 to vector<4096x256xf32>
    %add3A_265 = arith.addf %add3A_264, %mul3A_262 : vector<4096x256xf32>
    %mul3A_266 = arith.mulf %mul3A_259, %add3A_265 : vector<4096x256xf32>
    %add3A_267 = arith.constant 3.14063406 : f32
    %add3A_268 = vector.broadcast %add3A_267 : f32 to vector<4096x256xf32>
    %add3A_269 = arith.addf %add3A_268, %mul3A_266 : vector<4096x256xf32>
    %mul3A_270 = arith.mulf %bitcast_convert_type3A_258, %add3A_269 : vector<4096x256xf32>
    %mul3A_271 = arith.mulf %mul3A_270, %exp23A_233 : vector<4096x256xf32>
    %mul3A_272 = arith.mulf %add3A_200, %mul3A_271 : vector<4096x256xf32>
    %convert_element_type3A_273 = arith.truncf %mul3A_272 : vector<4096x256xf32> to vector<4096x256xbf16>
    %get3A_274 = arith.constant 1 : index
    %get3A_275 = arith.constant 0 : index
    %get3A_276 = arith.constant 0 : index
    %get3A_277 = vector.load %arg4[%get3A_274, %get3A_275, %get3A_276] : memref<7x256x256xbf16, #tpu.memory_space<vmem>>, vector<1x256x256xbf16>
    %get3A_278 = vector.shape_cast %get3A_277 : vector<1x256x256xbf16> to vector<256x256xbf16>
    %dot_general3A_279 = arith.constant dense<0.000000e+00> : vector<4096x256xf32>
    %dot_general3A_280 = tpu.matmul %convert_element_type3A_273, %get3A_278, %dot_general3A_279 {dimension_numbers = #tpu.dot_dimension_numbers<[1], [0], [0], [1], [0, 0, 1, 1], [], []>, transpose_lhs_hint = false} : vector<4096x256xbf16>, vector<256x256xbf16>, vector<4096x256xf32> -> vector<4096x256xf32>
    %add3A_281 = vector.broadcast %add3A_40 : vector<1x256xf32> to vector<4096x256xf32>
    %add3A_282 = arith.addf %dot_general3A_280, %add3A_281 : vector<4096x256xf32>
    %get3A_283 = arith.constant 2 : index
    %get3A_284 = arith.constant 0 : index
    %get3A_285 = arith.constant 0 : index
    %get3A_286 = vector.load %arg9[%get3A_283, %get3A_284, %get3A_285] : memref<8x2x256xf32, #tpu.memory_space<vmem>>, vector<1x1x256xf32>
    %get3A_287 = vector.shape_cast %get3A_286 : vector<1x1x256xf32> to vector<1x256xf32>
    %get3A_288 = arith.constant 2 : index
    %get3A_289 = arith.constant 1 : index
    %get3A_290 = arith.constant 0 : index
    %get3A_291 = vector.load %arg9[%get3A_288, %get3A_289, %get3A_290] : memref<8x2x256xf32, #tpu.memory_space<vmem>>, vector<1x1x256xf32>
    %get3A_292 = vector.shape_cast %get3A_291 : vector<1x1x256xf32> to vector<1x256xf32>
    %mul3A_293 = arith.mulf %get3A_287, %get3A_287 : vector<1x256xf32>
    %mul3A_294 = arith.mulf %get3A_292, %get3A_292 : vector<1x256xf32>
    %add3A_295 = arith.addf %mul3A_293, %mul3A_294 : vector<1x256xf32>
    %get3A_296 = arith.constant 2 : index
    %get3A_297 = arith.constant 0 : index
    %get3A_298 = arith.constant 0 : index
    %get3A_299 = vector.load %arg7[%get3A_296, %get3A_297, %get3A_298] : memref<8x2x512xbf16, #tpu.memory_space<vmem>>, vector<1x2x512xbf16>
    %get3A_300 = vector.shape_cast %get3A_299 : vector<1x2x512xbf16> to vector<2x512xbf16>
    %dot_general3A_301 = arith.constant dense<0.000000e+00> : vector<4096x512xf32>
    %dot_general3A_302 = tpu.matmul %convert_element_type3A_123, %get3A_300, %dot_general3A_301 {dimension_numbers = #tpu.dot_dimension_numbers<[1], [0], [0], [1], [0, 0, 1, 1], [], []>, transpose_lhs_hint = false} : vector<4096x2xbf16>, vector<2x512xbf16>, vector<4096x512xf32> -> vector<4096x512xf32>
    %add3A_303 = vector.broadcast %add3A_117 : vector<4096x1xf32> to vector<4096x256xf32>
    %add3A_304 = vector.broadcast %add3A_295 : vector<1x256xf32> to vector<4096x256xf32>
    %add3A_305 = arith.addf %add3A_303, %add3A_304 : vector<4096x256xf32>
    %slice3A_306 = vector.extract_strided_slice %dot_general3A_302 {offsets = [0, 256], sizes = [4096, 256], strides = [1, 1]} : vector<4096x512xf32> to vector<4096x256xf32>
    %sub3A_307 = arith.subf %add3A_305, %slice3A_306 : vector<4096x256xf32>
    %get3A_308 = arith.constant 2 : index
    %get3A_309 = arith.constant 0 : index
    %get3A_310 = arith.constant 0 : index
    %get3A_311 = vector.load %arg10[%get3A_308, %get3A_309, %get3A_310] : memref<8x1x256xf32, #tpu.memory_space<vmem>>, vector<1x1x256xf32>
    %get3A_312 = vector.shape_cast %get3A_311 : vector<1x1x256xf32> to vector<1x256xf32>
    %mul3A_313 = vector.broadcast %get3A_312 : vector<1x256xf32> to vector<4096x256xf32>
    %mul3A_314 = arith.mulf %sub3A_307, %mul3A_313 : vector<4096x256xf32>
    %exp23A_315 = math.exp2 %mul3A_314 : vector<4096x256xf32>
    %slice3A_316 = vector.extract_strided_slice %dot_general3A_302 {offsets = [0, 0], sizes = [4096, 256], strides = [1, 1]} : vector<4096x512xf32> to vector<4096x256xf32>
    %mul3A_317 = arith.constant 0.318309873 : f32
    %mul3A_318 = vector.broadcast %mul3A_317 : f32 to vector<4096x256xf32>
    %mul3A_319 = arith.mulf %slice3A_316, %mul3A_318 : vector<4096x256xf32>
    %get3A_320 = arith.constant 2 : index
    %get3A_321 = arith.constant 0 : index
    %get3A_322 = arith.constant 0 : index
    %get3A_323 = vector.load %arg8[%get3A_320, %get3A_321, %get3A_322] : memref<8x1x256xf32, #tpu.memory_space<vmem>>, vector<1x1x256xf32>
    %get3A_324 = vector.shape_cast %get3A_323 : vector<1x1x256xf32> to vector<1x256xf32>
    %add3A_325 = vector.broadcast %get3A_324 : vector<1x256xf32> to vector<4096x256xf32>
    %add3A_326 = arith.addf %mul3A_319, %add3A_325 : vector<4096x256xf32>
    %add3A_327 = arith.constant 0x4B400000 : f32
    %add3A_328 = vector.broadcast %add3A_327 : f32 to vector<4096x256xf32>
    %add3A_329 = arith.addf %add3A_326, %add3A_328 : vector<4096x256xf32>
    %sub3A_330 = arith.constant 0x4B400000 : f32
    %sub3A_331 = vector.broadcast %sub3A_330 : f32 to vector<4096x256xf32>
    %sub3A_332 = arith.subf %add3A_329, %sub3A_331 : vector<4096x256xf32>
    %sub3A_333 = arith.subf %add3A_326, %sub3A_332 : vector<4096x256xf32>
    %bitcast_convert_type3A_334 = tpu.bitcast %add3A_329 : vector<4096x256xf32> -> vector<4096x256xi32>
    %shift_left3A_335 = arith.constant 31 : i32
    %shift_left3A_336 = vector.broadcast %shift_left3A_335 : i32 to vector<4096x256xi32>
    %shift_left3A_337 = arith.shli %bitcast_convert_type3A_334, %shift_left3A_336 : vector<4096x256xi32>
    %bitcast_convert_type3A_338 = tpu.bitcast %sub3A_333 : vector<4096x256xf32> -> vector<4096x256xi32>
    %xor3A_339 = arith.xori %bitcast_convert_type3A_338, %shift_left3A_337 : vector<4096x256xi32>
    %bitcast_convert_type3A_340 = tpu.bitcast %xor3A_339 : vector<4096x256xi32> -> vector<4096x256xf32>
    %mul3A_341 = arith.mulf %bitcast_convert_type3A_340, %bitcast_convert_type3A_340 : vector<4096x256xf32>
    %mul3A_342 = arith.constant 2.2992456 : f32
    %mul3A_343 = vector.broadcast %mul3A_342 : f32 to vector<4096x256xf32>
    %mul3A_344 = arith.mulf %mul3A_341, %mul3A_343 : vector<4096x256xf32>
    %add3A_345 = arith.constant -5.13681126 : f32
    %add3A_346 = vector.broadcast %add3A_345 : f32 to vector<4096x256xf32>
    %add3A_347 = arith.addf %add3A_346, %mul3A_344 : vector<4096x256xf32>
    %mul3A_348 = arith.mulf %mul3A_341, %add3A_347 : vector<4096x256xf32>
    %add3A_349 = arith.constant 3.14063406 : f32
    %add3A_350 = vector.broadcast %add3A_349 : f32 to vector<4096x256xf32>
    %add3A_351 = arith.addf %add3A_350, %mul3A_348 : vector<4096x256xf32>
    %mul3A_352 = arith.mulf %bitcast_convert_type3A_340, %add3A_351 : vector<4096x256xf32>
    %mul3A_353 = arith.mulf %mul3A_352, %exp23A_315 : vector<4096x256xf32>
    %mul3A_354 = arith.mulf %add3A_282, %mul3A_353 : vector<4096x256xf32>
    %convert_element_type3A_355 = arith.truncf %mul3A_354 : vector<4096x256xf32> to vector<4096x256xbf16>
    %get3A_356 = arith.constant 2 : index
    %get3A_357 = arith.constant 0 : index
    %get3A_358 = arith.constant 0 : index
    %get3A_359 = vector.load %arg4[%get3A_356, %get3A_357, %get3A_358] : memref<7x256x256xbf16, #tpu.memory_space<vmem>>, vector<1x256x256xbf16>
    %get3A_360 = vector.shape_cast %get3A_359 : vector<1x256x256xbf16> to vector<256x256xbf16>
    %dot_general3A_361 = arith.constant dense<0.000000e+00> : vector<4096x256xf32>
    %dot_general3A_362 = tpu.matmul %convert_element_type3A_355, %get3A_360, %dot_general3A_361 {dimension_numbers = #tpu.dot_dimension_numbers<[1], [0], [0], [1], [0, 0, 1, 1], [], []>, transpose_lhs_hint = false} : vector<4096x256xbf16>, vector<256x256xbf16>, vector<4096x256xf32> -> vector<4096x256xf32>
    %add3A_363 = vector.broadcast %add3A_53 : vector<1x256xf32> to vector<4096x256xf32>
    %add3A_364 = arith.addf %dot_general3A_362, %add3A_363 : vector<4096x256xf32>
    %get3A_365 = arith.constant 3 : index
    %get3A_366 = arith.constant 0 : index
    %get3A_367 = arith.constant 0 : index
    %get3A_368 = vector.load %arg9[%get3A_365, %get3A_366, %get3A_367] : memref<8x2x256xf32, #tpu.memory_space<vmem>>, vector<1x1x256xf32>
    %get3A_369 = vector.shape_cast %get3A_368 : vector<1x1x256xf32> to vector<1x256xf32>
    %get3A_370 = arith.constant 3 : index
    %get3A_371 = arith.constant 1 : index
    %get3A_372 = arith.constant 0 : index
    %get3A_373 = vector.load %arg9[%get3A_370, %get3A_371, %get3A_372] : memref<8x2x256xf32, #tpu.memory_space<vmem>>, vector<1x1x256xf32>
    %get3A_374 = vector.shape_cast %get3A_373 : vector<1x1x256xf32> to vector<1x256xf32>
    %mul3A_375 = arith.mulf %get3A_369, %get3A_369 : vector<1x256xf32>
    %mul3A_376 = arith.mulf %get3A_374, %get3A_374 : vector<1x256xf32>
    %add3A_377 = arith.addf %mul3A_375, %mul3A_376 : vector<1x256xf32>
    %get3A_378 = arith.constant 3 : index
    %get3A_379 = arith.constant 0 : index
    %get3A_380 = arith.constant 0 : index
    %get3A_381 = vector.load %arg7[%get3A_378, %get3A_379, %get3A_380] : memref<8x2x512xbf16, #tpu.memory_space<vmem>>, vector<1x2x512xbf16>
    %get3A_382 = vector.shape_cast %get3A_381 : vector<1x2x512xbf16> to vector<2x512xbf16>
    %dot_general3A_383 = arith.constant dense<0.000000e+00> : vector<4096x512xf32>
    %dot_general3A_384 = tpu.matmul %convert_element_type3A_123, %get3A_382, %dot_general3A_383 {dimension_numbers = #tpu.dot_dimension_numbers<[1], [0], [0], [1], [0, 0, 1, 1], [], []>, transpose_lhs_hint = false} : vector<4096x2xbf16>, vector<2x512xbf16>, vector<4096x512xf32> -> vector<4096x512xf32>
    %add3A_385 = vector.broadcast %add3A_117 : vector<4096x1xf32> to vector<4096x256xf32>
    %add3A_386 = vector.broadcast %add3A_377 : vector<1x256xf32> to vector<4096x256xf32>
    %add3A_387 = arith.addf %add3A_385, %add3A_386 : vector<4096x256xf32>
    %slice3A_388 = vector.extract_strided_slice %dot_general3A_384 {offsets = [0, 256], sizes = [4096, 256], strides = [1, 1]} : vector<4096x512xf32> to vector<4096x256xf32>
    %sub3A_389 = arith.subf %add3A_387, %slice3A_388 : vector<4096x256xf32>
    %get3A_390 = arith.constant 3 : index
    %get3A_391 = arith.constant 0 : index
    %get3A_392 = arith.constant 0 : index
    %get3A_393 = vector.load %arg10[%get3A_390, %get3A_391, %get3A_392] : memref<8x1x256xf32, #tpu.memory_space<vmem>>, vector<1x1x256xf32>
    %get3A_394 = vector.shape_cast %get3A_393 : vector<1x1x256xf32> to vector<1x256xf32>
    %mul3A_395 = vector.broadcast %get3A_394 : vector<1x256xf32> to vector<4096x256xf32>
    %mul3A_396 = arith.mulf %sub3A_389, %mul3A_395 : vector<4096x256xf32>
    %exp23A_397 = math.exp2 %mul3A_396 : vector<4096x256xf32>
    %slice3A_398 = vector.extract_strided_slice %dot_general3A_384 {offsets = [0, 0], sizes = [4096, 256], strides = [1, 1]} : vector<4096x512xf32> to vector<4096x256xf32>
    %mul3A_399 = arith.constant 0.318309873 : f32
    %mul3A_400 = vector.broadcast %mul3A_399 : f32 to vector<4096x256xf32>
    %mul3A_401 = arith.mulf %slice3A_398, %mul3A_400 : vector<4096x256xf32>
    %get3A_402 = arith.constant 3 : index
    %get3A_403 = arith.constant 0 : index
    %get3A_404 = arith.constant 0 : index
    %get3A_405 = vector.load %arg8[%get3A_402, %get3A_403, %get3A_404] : memref<8x1x256xf32, #tpu.memory_space<vmem>>, vector<1x1x256xf32>
    %get3A_406 = vector.shape_cast %get3A_405 : vector<1x1x256xf32> to vector<1x256xf32>
    %add3A_407 = vector.broadcast %get3A_406 : vector<1x256xf32> to vector<4096x256xf32>
    %add3A_408 = arith.addf %mul3A_401, %add3A_407 : vector<4096x256xf32>
    %add3A_409 = arith.constant 0x4B400000 : f32
    %add3A_410 = vector.broadcast %add3A_409 : f32 to vector<4096x256xf32>
    %add3A_411 = arith.addf %add3A_408, %add3A_410 : vector<4096x256xf32>
    %sub3A_412 = arith.constant 0x4B400000 : f32
    %sub3A_413 = vector.broadcast %sub3A_412 : f32 to vector<4096x256xf32>
    %sub3A_414 = arith.subf %add3A_411, %sub3A_413 : vector<4096x256xf32>
    %sub3A_415 = arith.subf %add3A_408, %sub3A_414 : vector<4096x256xf32>
    %bitcast_convert_type3A_416 = tpu.bitcast %add3A_411 : vector<4096x256xf32> -> vector<4096x256xi32>
    %shift_left3A_417 = arith.constant 31 : i32
    %shift_left3A_418 = vector.broadcast %shift_left3A_417 : i32 to vector<4096x256xi32>
    %shift_left3A_419 = arith.shli %bitcast_convert_type3A_416, %shift_left3A_418 : vector<4096x256xi32>
    %bitcast_convert_type3A_420 = tpu.bitcast %sub3A_415 : vector<4096x256xf32> -> vector<4096x256xi32>
    %xor3A_421 = arith.xori %bitcast_convert_type3A_420, %shift_left3A_419 : vector<4096x256xi32>
    %bitcast_convert_type3A_422 = tpu.bitcast %xor3A_421 : vector<4096x256xi32> -> vector<4096x256xf32>
    %mul3A_423 = arith.mulf %bitcast_convert_type3A_422, %bitcast_convert_type3A_422 : vector<4096x256xf32>
    %mul3A_424 = arith.constant 2.2992456 : f32
    %mul3A_425 = vector.broadcast %mul3A_424 : f32 to vector<4096x256xf32>
    %mul3A_426 = arith.mulf %mul3A_423, %mul3A_425 : vector<4096x256xf32>
    %add3A_427 = arith.constant -5.13681126 : f32
    %add3A_428 = vector.broadcast %add3A_427 : f32 to vector<4096x256xf32>
    %add3A_429 = arith.addf %add3A_428, %mul3A_426 : vector<4096x256xf32>
    %mul3A_430 = arith.mulf %mul3A_423, %add3A_429 : vector<4096x256xf32>
    %add3A_431 = arith.constant 3.14063406 : f32
    %add3A_432 = vector.broadcast %add3A_431 : f32 to vector<4096x256xf32>
    %add3A_433 = arith.addf %add3A_432, %mul3A_430 : vector<4096x256xf32>
    %mul3A_434 = arith.mulf %bitcast_convert_type3A_422, %add3A_433 : vector<4096x256xf32>
    %mul3A_435 = arith.mulf %mul3A_434, %exp23A_397 : vector<4096x256xf32>
    %mul3A_436 = arith.mulf %add3A_364, %mul3A_435 : vector<4096x256xf32>
    %convert_element_type3A_437 = arith.truncf %mul3A_436 : vector<4096x256xf32> to vector<4096x256xbf16>
    %get3A_438 = arith.constant 3 : index
    %get3A_439 = arith.constant 0 : index
    %get3A_440 = arith.constant 0 : index
    %get3A_441 = vector.load %arg4[%get3A_438, %get3A_439, %get3A_440] : memref<7x256x256xbf16, #tpu.memory_space<vmem>>, vector<1x256x256xbf16>
    %get3A_442 = vector.shape_cast %get3A_441 : vector<1x256x256xbf16> to vector<256x256xbf16>
    %dot_general3A_443 = arith.constant dense<0.000000e+00> : vector<4096x256xf32>
    %dot_general3A_444 = tpu.matmul %convert_element_type3A_437, %get3A_442, %dot_general3A_443 {dimension_numbers = #tpu.dot_dimension_numbers<[1], [0], [0], [1], [0, 0, 1, 1], [], []>, transpose_lhs_hint = false} : vector<4096x256xbf16>, vector<256x256xbf16>, vector<4096x256xf32> -> vector<4096x256xf32>
    %add3A_445 = vector.broadcast %add3A_66 : vector<1x256xf32> to vector<4096x256xf32>
    %add3A_446 = arith.addf %dot_general3A_444, %add3A_445 : vector<4096x256xf32>
    %get3A_447 = arith.constant 4 : index
    %get3A_448 = arith.constant 0 : index
    %get3A_449 = arith.constant 0 : index
    %get3A_450 = vector.load %arg9[%get3A_447, %get3A_448, %get3A_449] : memref<8x2x256xf32, #tpu.memory_space<vmem>>, vector<1x1x256xf32>
    %get3A_451 = vector.shape_cast %get3A_450 : vector<1x1x256xf32> to vector<1x256xf32>
    %get3A_452 = arith.constant 4 : index
    %get3A_453 = arith.constant 1 : index
    %get3A_454 = arith.constant 0 : index
    %get3A_455 = vector.load %arg9[%get3A_452, %get3A_453, %get3A_454] : memref<8x2x256xf32, #tpu.memory_space<vmem>>, vector<1x1x256xf32>
    %get3A_456 = vector.shape_cast %get3A_455 : vector<1x1x256xf32> to vector<1x256xf32>
    %mul3A_457 = arith.mulf %get3A_451, %get3A_451 : vector<1x256xf32>
    %mul3A_458 = arith.mulf %get3A_456, %get3A_456 : vector<1x256xf32>
    %add3A_459 = arith.addf %mul3A_457, %mul3A_458 : vector<1x256xf32>
    %get3A_460 = arith.constant 4 : index
    %get3A_461 = arith.constant 0 : index
    %get3A_462 = arith.constant 0 : index
    %get3A_463 = vector.load %arg7[%get3A_460, %get3A_461, %get3A_462] : memref<8x2x512xbf16, #tpu.memory_space<vmem>>, vector<1x2x512xbf16>
    %get3A_464 = vector.shape_cast %get3A_463 : vector<1x2x512xbf16> to vector<2x512xbf16>
    %dot_general3A_465 = arith.constant dense<0.000000e+00> : vector<4096x512xf32>
    %dot_general3A_466 = tpu.matmul %convert_element_type3A_123, %get3A_464, %dot_general3A_465 {dimension_numbers = #tpu.dot_dimension_numbers<[1], [0], [0], [1], [0, 0, 1, 1], [], []>, transpose_lhs_hint = false} : vector<4096x2xbf16>, vector<2x512xbf16>, vector<4096x512xf32> -> vector<4096x512xf32>
    %add3A_467 = vector.broadcast %add3A_117 : vector<4096x1xf32> to vector<4096x256xf32>
    %add3A_468 = vector.broadcast %add3A_459 : vector<1x256xf32> to vector<4096x256xf32>
    %add3A_469 = arith.addf %add3A_467, %add3A_468 : vector<4096x256xf32>
    %slice3A_470 = vector.extract_strided_slice %dot_general3A_466 {offsets = [0, 256], sizes = [4096, 256], strides = [1, 1]} : vector<4096x512xf32> to vector<4096x256xf32>
    %sub3A_471 = arith.subf %add3A_469, %slice3A_470 : vector<4096x256xf32>
    %get3A_472 = arith.constant 4 : index
    %get3A_473 = arith.constant 0 : index
    %get3A_474 = arith.constant 0 : index
    %get3A_475 = vector.load %arg10[%get3A_472, %get3A_473, %get3A_474] : memref<8x1x256xf32, #tpu.memory_space<vmem>>, vector<1x1x256xf32>
    %get3A_476 = vector.shape_cast %get3A_475 : vector<1x1x256xf32> to vector<1x256xf32>
    %mul3A_477 = vector.broadcast %get3A_476 : vector<1x256xf32> to vector<4096x256xf32>
    %mul3A_478 = arith.mulf %sub3A_471, %mul3A_477 : vector<4096x256xf32>
    %exp23A_479 = math.exp2 %mul3A_478 : vector<4096x256xf32>
    %slice3A_480 = vector.extract_strided_slice %dot_general3A_466 {offsets = [0, 0], sizes = [4096, 256], strides = [1, 1]} : vector<4096x512xf32> to vector<4096x256xf32>
    %mul3A_481 = arith.constant 0.318309873 : f32
    %mul3A_482 = vector.broadcast %mul3A_481 : f32 to vector<4096x256xf32>
    %mul3A_483 = arith.mulf %slice3A_480, %mul3A_482 : vector<4096x256xf32>
    %get3A_484 = arith.constant 4 : index
    %get3A_485 = arith.constant 0 : index
    %get3A_486 = arith.constant 0 : index
    %get3A_487 = vector.load %arg8[%get3A_484, %get3A_485, %get3A_486] : memref<8x1x256xf32, #tpu.memory_space<vmem>>, vector<1x1x256xf32>
    %get3A_488 = vector.shape_cast %get3A_487 : vector<1x1x256xf32> to vector<1x256xf32>
    %add3A_489 = vector.broadcast %get3A_488 : vector<1x256xf32> to vector<4096x256xf32>
    %add3A_490 = arith.addf %mul3A_483, %add3A_489 : vector<4096x256xf32>
    %add3A_491 = arith.constant 0x4B400000 : f32
    %add3A_492 = vector.broadcast %add3A_491 : f32 to vector<4096x256xf32>
    %add3A_493 = arith.addf %add3A_490, %add3A_492 : vector<4096x256xf32>
    %sub3A_494 = arith.constant 0x4B400000 : f32
    %sub3A_495 = vector.broadcast %sub3A_494 : f32 to vector<4096x256xf32>
    %sub3A_496 = arith.subf %add3A_493, %sub3A_495 : vector<4096x256xf32>
    %sub3A_497 = arith.subf %add3A_490, %sub3A_496 : vector<4096x256xf32>
    %bitcast_convert_type3A_498 = tpu.bitcast %add3A_493 : vector<4096x256xf32> -> vector<4096x256xi32>
    %shift_left3A_499 = arith.constant 31 : i32
    %shift_left3A_500 = vector.broadcast %shift_left3A_499 : i32 to vector<4096x256xi32>
    %shift_left3A_501 = arith.shli %bitcast_convert_type3A_498, %shift_left3A_500 : vector<4096x256xi32>
    %bitcast_convert_type3A_502 = tpu.bitcast %sub3A_497 : vector<4096x256xf32> -> vector<4096x256xi32>
    %xor3A_503 = arith.xori %bitcast_convert_type3A_502, %shift_left3A_501 : vector<4096x256xi32>
    %bitcast_convert_type3A_504 = tpu.bitcast %xor3A_503 : vector<4096x256xi32> -> vector<4096x256xf32>
    %mul3A_505 = arith.mulf %bitcast_convert_type3A_504, %bitcast_convert_type3A_504 : vector<4096x256xf32>
    %mul3A_506 = arith.constant 2.2992456 : f32
    %mul3A_507 = vector.broadcast %mul3A_506 : f32 to vector<4096x256xf32>
    %mul3A_508 = arith.mulf %mul3A_505, %mul3A_507 : vector<4096x256xf32>
    %add3A_509 = arith.constant -5.13681126 : f32
    %add3A_510 = vector.broadcast %add3A_509 : f32 to vector<4096x256xf32>
    %add3A_511 = arith.addf %add3A_510, %mul3A_508 : vector<4096x256xf32>
    %mul3A_512 = arith.mulf %mul3A_505, %add3A_511 : vector<4096x256xf32>
    %add3A_513 = arith.constant 3.14063406 : f32
    %add3A_514 = vector.broadcast %add3A_513 : f32 to vector<4096x256xf32>
    %add3A_515 = arith.addf %add3A_514, %mul3A_512 : vector<4096x256xf32>
    %mul3A_516 = arith.mulf %bitcast_convert_type3A_504, %add3A_515 : vector<4096x256xf32>
    %mul3A_517 = arith.mulf %mul3A_516, %exp23A_479 : vector<4096x256xf32>
    %mul3A_518 = arith.mulf %add3A_446, %mul3A_517 : vector<4096x256xf32>
    %convert_element_type3A_519 = arith.truncf %mul3A_518 : vector<4096x256xf32> to vector<4096x256xbf16>
    %get3A_520 = arith.constant 4 : index
    %get3A_521 = arith.constant 0 : index
    %get3A_522 = arith.constant 0 : index
    %get3A_523 = vector.load %arg4[%get3A_520, %get3A_521, %get3A_522] : memref<7x256x256xbf16, #tpu.memory_space<vmem>>, vector<1x256x256xbf16>
    %get3A_524 = vector.shape_cast %get3A_523 : vector<1x256x256xbf16> to vector<256x256xbf16>
    %dot_general3A_525 = arith.constant dense<0.000000e+00> : vector<4096x256xf32>
    %dot_general3A_526 = tpu.matmul %convert_element_type3A_519, %get3A_524, %dot_general3A_525 {dimension_numbers = #tpu.dot_dimension_numbers<[1], [0], [0], [1], [0, 0, 1, 1], [], []>, transpose_lhs_hint = false} : vector<4096x256xbf16>, vector<256x256xbf16>, vector<4096x256xf32> -> vector<4096x256xf32>
    %add3A_527 = vector.broadcast %add3A_79 : vector<1x256xf32> to vector<4096x256xf32>
    %add3A_528 = arith.addf %dot_general3A_526, %add3A_527 : vector<4096x256xf32>
    %get3A_529 = arith.constant 5 : index
    %get3A_530 = arith.constant 0 : index
    %get3A_531 = arith.constant 0 : index
    %get3A_532 = vector.load %arg9[%get3A_529, %get3A_530, %get3A_531] : memref<8x2x256xf32, #tpu.memory_space<vmem>>, vector<1x1x256xf32>
    %get3A_533 = vector.shape_cast %get3A_532 : vector<1x1x256xf32> to vector<1x256xf32>
    %get3A_534 = arith.constant 5 : index
    %get3A_535 = arith.constant 1 : index
    %get3A_536 = arith.constant 0 : index
    %get3A_537 = vector.load %arg9[%get3A_534, %get3A_535, %get3A_536] : memref<8x2x256xf32, #tpu.memory_space<vmem>>, vector<1x1x256xf32>
    %get3A_538 = vector.shape_cast %get3A_537 : vector<1x1x256xf32> to vector<1x256xf32>
    %mul3A_539 = arith.mulf %get3A_533, %get3A_533 : vector<1x256xf32>
    %mul3A_540 = arith.mulf %get3A_538, %get3A_538 : vector<1x256xf32>
    %add3A_541 = arith.addf %mul3A_539, %mul3A_540 : vector<1x256xf32>
    %get3A_542 = arith.constant 5 : index
    %get3A_543 = arith.constant 0 : index
    %get3A_544 = arith.constant 0 : index
    %get3A_545 = vector.load %arg7[%get3A_542, %get3A_543, %get3A_544] : memref<8x2x512xbf16, #tpu.memory_space<vmem>>, vector<1x2x512xbf16>
    %get3A_546 = vector.shape_cast %get3A_545 : vector<1x2x512xbf16> to vector<2x512xbf16>
    %dot_general3A_547 = arith.constant dense<0.000000e+00> : vector<4096x512xf32>
    %dot_general3A_548 = tpu.matmul %convert_element_type3A_123, %get3A_546, %dot_general3A_547 {dimension_numbers = #tpu.dot_dimension_numbers<[1], [0], [0], [1], [0, 0, 1, 1], [], []>, transpose_lhs_hint = false} : vector<4096x2xbf16>, vector<2x512xbf16>, vector<4096x512xf32> -> vector<4096x512xf32>
    %add3A_549 = vector.broadcast %add3A_117 : vector<4096x1xf32> to vector<4096x256xf32>
    %add3A_550 = vector.broadcast %add3A_541 : vector<1x256xf32> to vector<4096x256xf32>
    %add3A_551 = arith.addf %add3A_549, %add3A_550 : vector<4096x256xf32>
    %slice3A_552 = vector.extract_strided_slice %dot_general3A_548 {offsets = [0, 256], sizes = [4096, 256], strides = [1, 1]} : vector<4096x512xf32> to vector<4096x256xf32>
    %sub3A_553 = arith.subf %add3A_551, %slice3A_552 : vector<4096x256xf32>
    %get3A_554 = arith.constant 5 : index
    %get3A_555 = arith.constant 0 : index
    %get3A_556 = arith.constant 0 : index
    %get3A_557 = vector.load %arg10[%get3A_554, %get3A_555, %get3A_556] : memref<8x1x256xf32, #tpu.memory_space<vmem>>, vector<1x1x256xf32>
    %get3A_558 = vector.shape_cast %get3A_557 : vector<1x1x256xf32> to vector<1x256xf32>
    %mul3A_559 = vector.broadcast %get3A_558 : vector<1x256xf32> to vector<4096x256xf32>
    %mul3A_560 = arith.mulf %sub3A_553, %mul3A_559 : vector<4096x256xf32>
    %exp23A_561 = math.exp2 %mul3A_560 : vector<4096x256xf32>
    %slice3A_562 = vector.extract_strided_slice %dot_general3A_548 {offsets = [0, 0], sizes = [4096, 256], strides = [1, 1]} : vector<4096x512xf32> to vector<4096x256xf32>
    %mul3A_563 = arith.constant 0.318309873 : f32
    %mul3A_564 = vector.broadcast %mul3A_563 : f32 to vector<4096x256xf32>
    %mul3A_565 = arith.mulf %slice3A_562, %mul3A_564 : vector<4096x256xf32>
    %get3A_566 = arith.constant 5 : index
    %get3A_567 = arith.constant 0 : index
    %get3A_568 = arith.constant 0 : index
    %get3A_569 = vector.load %arg8[%get3A_566, %get3A_567, %get3A_568] : memref<8x1x256xf32, #tpu.memory_space<vmem>>, vector<1x1x256xf32>
    %get3A_570 = vector.shape_cast %get3A_569 : vector<1x1x256xf32> to vector<1x256xf32>
    %add3A_571 = vector.broadcast %get3A_570 : vector<1x256xf32> to vector<4096x256xf32>
    %add3A_572 = arith.addf %mul3A_565, %add3A_571 : vector<4096x256xf32>
    %add3A_573 = arith.constant 0x4B400000 : f32
    %add3A_574 = vector.broadcast %add3A_573 : f32 to vector<4096x256xf32>
    %add3A_575 = arith.addf %add3A_572, %add3A_574 : vector<4096x256xf32>
    %sub3A_576 = arith.constant 0x4B400000 : f32
    %sub3A_577 = vector.broadcast %sub3A_576 : f32 to vector<4096x256xf32>
    %sub3A_578 = arith.subf %add3A_575, %sub3A_577 : vector<4096x256xf32>
    %sub3A_579 = arith.subf %add3A_572, %sub3A_578 : vector<4096x256xf32>
    %bitcast_convert_type3A_580 = tpu.bitcast %add3A_575 : vector<4096x256xf32> -> vector<4096x256xi32>
    %shift_left3A_581 = arith.constant 31 : i32
    %shift_left3A_582 = vector.broadcast %shift_left3A_581 : i32 to vector<4096x256xi32>
    %shift_left3A_583 = arith.shli %bitcast_convert_type3A_580, %shift_left3A_582 : vector<4096x256xi32>
    %bitcast_convert_type3A_584 = tpu.bitcast %sub3A_579 : vector<4096x256xf32> -> vector<4096x256xi32>
    %xor3A_585 = arith.xori %bitcast_convert_type3A_584, %shift_left3A_583 : vector<4096x256xi32>
    %bitcast_convert_type3A_586 = tpu.bitcast %xor3A_585 : vector<4096x256xi32> -> vector<4096x256xf32>
    %mul3A_587 = arith.mulf %bitcast_convert_type3A_586, %bitcast_convert_type3A_586 : vector<4096x256xf32>
    %mul3A_588 = arith.constant 2.2992456 : f32
    %mul3A_589 = vector.broadcast %mul3A_588 : f32 to vector<4096x256xf32>
    %mul3A_590 = arith.mulf %mul3A_587, %mul3A_589 : vector<4096x256xf32>
    %add3A_591 = arith.constant -5.13681126 : f32
    %add3A_592 = vector.broadcast %add3A_591 : f32 to vector<4096x256xf32>
    %add3A_593 = arith.addf %add3A_592, %mul3A_590 : vector<4096x256xf32>
    %mul3A_594 = arith.mulf %mul3A_587, %add3A_593 : vector<4096x256xf32>
    %add3A_595 = arith.constant 3.14063406 : f32
    %add3A_596 = vector.broadcast %add3A_595 : f32 to vector<4096x256xf32>
    %add3A_597 = arith.addf %add3A_596, %mul3A_594 : vector<4096x256xf32>
    %mul3A_598 = arith.mulf %bitcast_convert_type3A_586, %add3A_597 : vector<4096x256xf32>
    %mul3A_599 = arith.mulf %mul3A_598, %exp23A_561 : vector<4096x256xf32>
    %mul3A_600 = arith.mulf %add3A_528, %mul3A_599 : vector<4096x256xf32>
    %convert_element_type3A_601 = arith.truncf %mul3A_600 : vector<4096x256xf32> to vector<4096x256xbf16>
    %get3A_602 = arith.constant 5 : index
    %get3A_603 = arith.constant 0 : index
    %get3A_604 = arith.constant 0 : index
    %get3A_605 = vector.load %arg4[%get3A_602, %get3A_603, %get3A_604] : memref<7x256x256xbf16, #tpu.memory_space<vmem>>, vector<1x256x256xbf16>
    %get3A_606 = vector.shape_cast %get3A_605 : vector<1x256x256xbf16> to vector<256x256xbf16>
    %dot_general3A_607 = arith.constant dense<0.000000e+00> : vector<4096x256xf32>
    %dot_general3A_608 = tpu.matmul %convert_element_type3A_601, %get3A_606, %dot_general3A_607 {dimension_numbers = #tpu.dot_dimension_numbers<[1], [0], [0], [1], [0, 0, 1, 1], [], []>, transpose_lhs_hint = false} : vector<4096x256xbf16>, vector<256x256xbf16>, vector<4096x256xf32> -> vector<4096x256xf32>
    %add3A_609 = vector.broadcast %add3A_92 : vector<1x256xf32> to vector<4096x256xf32>
    %add3A_610 = arith.addf %dot_general3A_608, %add3A_609 : vector<4096x256xf32>
    %get3A_611 = arith.constant 6 : index
    %get3A_612 = arith.constant 0 : index
    %get3A_613 = arith.constant 0 : index
    %get3A_614 = vector.load %arg9[%get3A_611, %get3A_612, %get3A_613] : memref<8x2x256xf32, #tpu.memory_space<vmem>>, vector<1x1x256xf32>
    %get3A_615 = vector.shape_cast %get3A_614 : vector<1x1x256xf32> to vector<1x256xf32>
    %get3A_616 = arith.constant 6 : index
    %get3A_617 = arith.constant 1 : index
    %get3A_618 = arith.constant 0 : index
    %get3A_619 = vector.load %arg9[%get3A_616, %get3A_617, %get3A_618] : memref<8x2x256xf32, #tpu.memory_space<vmem>>, vector<1x1x256xf32>
    %get3A_620 = vector.shape_cast %get3A_619 : vector<1x1x256xf32> to vector<1x256xf32>
    %mul3A_621 = arith.mulf %get3A_615, %get3A_615 : vector<1x256xf32>
    %mul3A_622 = arith.mulf %get3A_620, %get3A_620 : vector<1x256xf32>
    %add3A_623 = arith.addf %mul3A_621, %mul3A_622 : vector<1x256xf32>
    %get3A_624 = arith.constant 6 : index
    %get3A_625 = arith.constant 0 : index
    %get3A_626 = arith.constant 0 : index
    %get3A_627 = vector.load %arg7[%get3A_624, %get3A_625, %get3A_626] : memref<8x2x512xbf16, #tpu.memory_space<vmem>>, vector<1x2x512xbf16>
    %get3A_628 = vector.shape_cast %get3A_627 : vector<1x2x512xbf16> to vector<2x512xbf16>
    %dot_general3A_629 = arith.constant dense<0.000000e+00> : vector<4096x512xf32>
    %dot_general3A_630 = tpu.matmul %convert_element_type3A_123, %get3A_628, %dot_general3A_629 {dimension_numbers = #tpu.dot_dimension_numbers<[1], [0], [0], [1], [0, 0, 1, 1], [], []>, transpose_lhs_hint = false} : vector<4096x2xbf16>, vector<2x512xbf16>, vector<4096x512xf32> -> vector<4096x512xf32>
    %add3A_631 = vector.broadcast %add3A_117 : vector<4096x1xf32> to vector<4096x256xf32>
    %add3A_632 = vector.broadcast %add3A_623 : vector<1x256xf32> to vector<4096x256xf32>
    %add3A_633 = arith.addf %add3A_631, %add3A_632 : vector<4096x256xf32>
    %slice3A_634 = vector.extract_strided_slice %dot_general3A_630 {offsets = [0, 256], sizes = [4096, 256], strides = [1, 1]} : vector<4096x512xf32> to vector<4096x256xf32>
    %sub3A_635 = arith.subf %add3A_633, %slice3A_634 : vector<4096x256xf32>
    %get3A_636 = arith.constant 6 : index
    %get3A_637 = arith.constant 0 : index
    %get3A_638 = arith.constant 0 : index
    %get3A_639 = vector.load %arg10[%get3A_636, %get3A_637, %get3A_638] : memref<8x1x256xf32, #tpu.memory_space<vmem>>, vector<1x1x256xf32>
    %get3A_640 = vector.shape_cast %get3A_639 : vector<1x1x256xf32> to vector<1x256xf32>
    %mul3A_641 = vector.broadcast %get3A_640 : vector<1x256xf32> to vector<4096x256xf32>
    %mul3A_642 = arith.mulf %sub3A_635, %mul3A_641 : vector<4096x256xf32>
    %exp23A_643 = math.exp2 %mul3A_642 : vector<4096x256xf32>
    %slice3A_644 = vector.extract_strided_slice %dot_general3A_630 {offsets = [0, 0], sizes = [4096, 256], strides = [1, 1]} : vector<4096x512xf32> to vector<4096x256xf32>
    %mul3A_645 = arith.constant 0.318309873 : f32
    %mul3A_646 = vector.broadcast %mul3A_645 : f32 to vector<4096x256xf32>
    %mul3A_647 = arith.mulf %slice3A_644, %mul3A_646 : vector<4096x256xf32>
    %get3A_648 = arith.constant 6 : index
    %get3A_649 = arith.constant 0 : index
    %get3A_650 = arith.constant 0 : index
    %get3A_651 = vector.load %arg8[%get3A_648, %get3A_649, %get3A_650] : memref<8x1x256xf32, #tpu.memory_space<vmem>>, vector<1x1x256xf32>
    %get3A_652 = vector.shape_cast %get3A_651 : vector<1x1x256xf32> to vector<1x256xf32>
    %add3A_653 = vector.broadcast %get3A_652 : vector<1x256xf32> to vector<4096x256xf32>
    %add3A_654 = arith.addf %mul3A_647, %add3A_653 : vector<4096x256xf32>
    %add3A_655 = arith.constant 0x4B400000 : f32
    %add3A_656 = vector.broadcast %add3A_655 : f32 to vector<4096x256xf32>
    %add3A_657 = arith.addf %add3A_654, %add3A_656 : vector<4096x256xf32>
    %sub3A_658 = arith.constant 0x4B400000 : f32
    %sub3A_659 = vector.broadcast %sub3A_658 : f32 to vector<4096x256xf32>
    %sub3A_660 = arith.subf %add3A_657, %sub3A_659 : vector<4096x256xf32>
    %sub3A_661 = arith.subf %add3A_654, %sub3A_660 : vector<4096x256xf32>
    %bitcast_convert_type3A_662 = tpu.bitcast %add3A_657 : vector<4096x256xf32> -> vector<4096x256xi32>
    %shift_left3A_663 = arith.constant 31 : i32
    %shift_left3A_664 = vector.broadcast %shift_left3A_663 : i32 to vector<4096x256xi32>
    %shift_left3A_665 = arith.shli %bitcast_convert_type3A_662, %shift_left3A_664 : vector<4096x256xi32>
    %bitcast_convert_type3A_666 = tpu.bitcast %sub3A_661 : vector<4096x256xf32> -> vector<4096x256xi32>
    %xor3A_667 = arith.xori %bitcast_convert_type3A_666, %shift_left3A_665 : vector<4096x256xi32>
    %bitcast_convert_type3A_668 = tpu.bitcast %xor3A_667 : vector<4096x256xi32> -> vector<4096x256xf32>
    %mul3A_669 = arith.mulf %bitcast_convert_type3A_668, %bitcast_convert_type3A_668 : vector<4096x256xf32>
    %mul3A_670 = arith.constant 2.2992456 : f32
    %mul3A_671 = vector.broadcast %mul3A_670 : f32 to vector<4096x256xf32>
    %mul3A_672 = arith.mulf %mul3A_669, %mul3A_671 : vector<4096x256xf32>
    %add3A_673 = arith.constant -5.13681126 : f32
    %add3A_674 = vector.broadcast %add3A_673 : f32 to vector<4096x256xf32>
    %add3A_675 = arith.addf %add3A_674, %mul3A_672 : vector<4096x256xf32>
    %mul3A_676 = arith.mulf %mul3A_669, %add3A_675 : vector<4096x256xf32>
    %add3A_677 = arith.constant 3.14063406 : f32
    %add3A_678 = vector.broadcast %add3A_677 : f32 to vector<4096x256xf32>
    %add3A_679 = arith.addf %add3A_678, %mul3A_676 : vector<4096x256xf32>
    %mul3A_680 = arith.mulf %bitcast_convert_type3A_668, %add3A_679 : vector<4096x256xf32>
    %mul3A_681 = arith.mulf %mul3A_680, %exp23A_643 : vector<4096x256xf32>
    %mul3A_682 = arith.mulf %add3A_610, %mul3A_681 : vector<4096x256xf32>
    %convert_element_type3A_683 = arith.truncf %mul3A_682 : vector<4096x256xf32> to vector<4096x256xbf16>
    %get3A_684 = arith.constant 6 : index
    %get3A_685 = arith.constant 0 : index
    %get3A_686 = arith.constant 0 : index
    %get3A_687 = vector.load %arg4[%get3A_684, %get3A_685, %get3A_686] : memref<7x256x256xbf16, #tpu.memory_space<vmem>>, vector<1x256x256xbf16>
    %get3A_688 = vector.shape_cast %get3A_687 : vector<1x256x256xbf16> to vector<256x256xbf16>
    %dot_general3A_689 = arith.constant dense<0.000000e+00> : vector<4096x256xf32>
    %dot_general3A_690 = tpu.matmul %convert_element_type3A_683, %get3A_688, %dot_general3A_689 {dimension_numbers = #tpu.dot_dimension_numbers<[1], [0], [0], [1], [0, 0, 1, 1], [], []>, transpose_lhs_hint = false} : vector<4096x256xbf16>, vector<256x256xbf16>, vector<4096x256xf32> -> vector<4096x256xf32>
    %add3A_691 = vector.broadcast %add3A_105 : vector<1x256xf32> to vector<4096x256xf32>
    %add3A_692 = arith.addf %dot_general3A_690, %add3A_691 : vector<4096x256xf32>
    %get3A_693 = arith.constant 7 : index
    %get3A_694 = arith.constant 0 : index
    %get3A_695 = arith.constant 0 : index
    %get3A_696 = vector.load %arg9[%get3A_693, %get3A_694, %get3A_695] : memref<8x2x256xf32, #tpu.memory_space<vmem>>, vector<1x1x256xf32>
    %get3A_697 = vector.shape_cast %get3A_696 : vector<1x1x256xf32> to vector<1x256xf32>
    %get3A_698 = arith.constant 7 : index
    %get3A_699 = arith.constant 1 : index
    %get3A_700 = arith.constant 0 : index
    %get3A_701 = vector.load %arg9[%get3A_698, %get3A_699, %get3A_700] : memref<8x2x256xf32, #tpu.memory_space<vmem>>, vector<1x1x256xf32>
    %get3A_702 = vector.shape_cast %get3A_701 : vector<1x1x256xf32> to vector<1x256xf32>
    %mul3A_703 = arith.mulf %get3A_697, %get3A_697 : vector<1x256xf32>
    %mul3A_704 = arith.mulf %get3A_702, %get3A_702 : vector<1x256xf32>
    %add3A_705 = arith.addf %mul3A_703, %mul3A_704 : vector<1x256xf32>
    %get3A_706 = arith.constant 7 : index
    %get3A_707 = arith.constant 0 : index
    %get3A_708 = arith.constant 0 : index
    %get3A_709 = vector.load %arg7[%get3A_706, %get3A_707, %get3A_708] : memref<8x2x512xbf16, #tpu.memory_space<vmem>>, vector<1x2x512xbf16>
    %get3A_710 = vector.shape_cast %get3A_709 : vector<1x2x512xbf16> to vector<2x512xbf16>
    %dot_general3A_711 = arith.constant dense<0.000000e+00> : vector<4096x512xf32>
    %dot_general3A_712 = tpu.matmul %convert_element_type3A_123, %get3A_710, %dot_general3A_711 {dimension_numbers = #tpu.dot_dimension_numbers<[1], [0], [0], [1], [0, 0, 1, 1], [], []>, transpose_lhs_hint = false} : vector<4096x2xbf16>, vector<2x512xbf16>, vector<4096x512xf32> -> vector<4096x512xf32>
    %add3A_713 = vector.broadcast %add3A_117 : vector<4096x1xf32> to vector<4096x256xf32>
    %add3A_714 = vector.broadcast %add3A_705 : vector<1x256xf32> to vector<4096x256xf32>
    %add3A_715 = arith.addf %add3A_713, %add3A_714 : vector<4096x256xf32>
    %slice3A_716 = vector.extract_strided_slice %dot_general3A_712 {offsets = [0, 256], sizes = [4096, 256], strides = [1, 1]} : vector<4096x512xf32> to vector<4096x256xf32>
    %sub3A_717 = arith.subf %add3A_715, %slice3A_716 : vector<4096x256xf32>
    %get3A_718 = arith.constant 7 : index
    %get3A_719 = arith.constant 0 : index
    %get3A_720 = arith.constant 0 : index
    %get3A_721 = vector.load %arg10[%get3A_718, %get3A_719, %get3A_720] : memref<8x1x256xf32, #tpu.memory_space<vmem>>, vector<1x1x256xf32>
    %get3A_722 = vector.shape_cast %get3A_721 : vector<1x1x256xf32> to vector<1x256xf32>
    %mul3A_723 = vector.broadcast %get3A_722 : vector<1x256xf32> to vector<4096x256xf32>
    %mul3A_724 = arith.mulf %sub3A_717, %mul3A_723 : vector<4096x256xf32>
    %exp23A_725 = math.exp2 %mul3A_724 : vector<4096x256xf32>
    %slice3A_726 = vector.extract_strided_slice %dot_general3A_712 {offsets = [0, 0], sizes = [4096, 256], strides = [1, 1]} : vector<4096x512xf32> to vector<4096x256xf32>
    %mul3A_727 = arith.constant 0.318309873 : f32
    %mul3A_728 = vector.broadcast %mul3A_727 : f32 to vector<4096x256xf32>
    %mul3A_729 = arith.mulf %slice3A_726, %mul3A_728 : vector<4096x256xf32>
    %get3A_730 = arith.constant 7 : index
    %get3A_731 = arith.constant 0 : index
    %get3A_732 = arith.constant 0 : index
    %get3A_733 = vector.load %arg8[%get3A_730, %get3A_731, %get3A_732] : memref<8x1x256xf32, #tpu.memory_space<vmem>>, vector<1x1x256xf32>
    %get3A_734 = vector.shape_cast %get3A_733 : vector<1x1x256xf32> to vector<1x256xf32>
    %add3A_735 = vector.broadcast %get3A_734 : vector<1x256xf32> to vector<4096x256xf32>
    %add3A_736 = arith.addf %mul3A_729, %add3A_735 : vector<4096x256xf32>
    %add3A_737 = arith.constant 0x4B400000 : f32
    %add3A_738 = vector.broadcast %add3A_737 : f32 to vector<4096x256xf32>
    %add3A_739 = arith.addf %add3A_736, %add3A_738 : vector<4096x256xf32>
    %sub3A_740 = arith.constant 0x4B400000 : f32
    %sub3A_741 = vector.broadcast %sub3A_740 : f32 to vector<4096x256xf32>
    %sub3A_742 = arith.subf %add3A_739, %sub3A_741 : vector<4096x256xf32>
    %sub3A_743 = arith.subf %add3A_736, %sub3A_742 : vector<4096x256xf32>
    %bitcast_convert_type3A_744 = tpu.bitcast %add3A_739 : vector<4096x256xf32> -> vector<4096x256xi32>
    %shift_left3A_745 = arith.constant 31 : i32
    %shift_left3A_746 = vector.broadcast %shift_left3A_745 : i32 to vector<4096x256xi32>
    %shift_left3A_747 = arith.shli %bitcast_convert_type3A_744, %shift_left3A_746 : vector<4096x256xi32>
    %bitcast_convert_type3A_748 = tpu.bitcast %sub3A_743 : vector<4096x256xf32> -> vector<4096x256xi32>
    %xor3A_749 = arith.xori %bitcast_convert_type3A_748, %shift_left3A_747 : vector<4096x256xi32>
    %bitcast_convert_type3A_750 = tpu.bitcast %xor3A_749 : vector<4096x256xi32> -> vector<4096x256xf32>
    %mul3A_751 = arith.mulf %bitcast_convert_type3A_750, %bitcast_convert_type3A_750 : vector<4096x256xf32>
    %mul3A_752 = arith.constant 2.2992456 : f32
    %mul3A_753 = vector.broadcast %mul3A_752 : f32 to vector<4096x256xf32>
    %mul3A_754 = arith.mulf %mul3A_751, %mul3A_753 : vector<4096x256xf32>
    %add3A_755 = arith.constant -5.13681126 : f32
    %add3A_756 = vector.broadcast %add3A_755 : f32 to vector<4096x256xf32>
    %add3A_757 = arith.addf %add3A_756, %mul3A_754 : vector<4096x256xf32>
    %mul3A_758 = arith.mulf %mul3A_751, %add3A_757 : vector<4096x256xf32>
    %add3A_759 = arith.constant 3.14063406 : f32
    %add3A_760 = vector.broadcast %add3A_759 : f32 to vector<4096x256xf32>
    %add3A_761 = arith.addf %add3A_760, %mul3A_758 : vector<4096x256xf32>
    %mul3A_762 = arith.mulf %bitcast_convert_type3A_750, %add3A_761 : vector<4096x256xf32>
    %mul3A_763 = arith.mulf %mul3A_762, %exp23A_725 : vector<4096x256xf32>
    %mul3A_764 = arith.mulf %add3A_692, %mul3A_763 : vector<4096x256xf32>
    %convert_element_type3A_765 = arith.truncf %mul3A_764 : vector<4096x256xf32> to vector<4096x256xbf16>
    %get3A_766 = arith.constant 0 : index
    %get3A_767 = arith.constant 0 : index
    %get3A_768 = vector.load %arg11[%get3A_766, %get3A_767] : memref<256x1xbf16, #tpu.memory_space<vmem>>, vector<256x1xbf16>
    %dot_general3A_769 = arith.constant dense<0.000000e+00> : vector<4096x1xf32>
    %dot_general3A_770 = tpu.matmul %convert_element_type3A_765, %get3A_768, %dot_general3A_769 {dimension_numbers = #tpu.dot_dimension_numbers<[1], [0], [0], [1], [0, 0, 1, 1], [], []>, transpose_lhs_hint = false} : vector<4096x256xbf16>, vector<256x1xbf16>, vector<4096x1xf32> -> vector<4096x1xf32>
    %get3A_771 = arith.constant 0 : index
    %get3A_772 = arith.constant 0 : index
    %get3A_773 = vector.load %arg12[%get3A_771, %get3A_772] : memref<1x1xf32, #tpu.memory_space<vmem>>, vector<1x1xf32>
    %add3A_774 = vector.broadcast %get3A_773 : vector<1x1xf32> to vector<4096x1xf32>
    %add3A_775 = arith.addf %dot_general3A_770, %add3A_774 : vector<4096x1xf32>
    %broadcast_in_dim3A = vector.shape_cast %add3A_775 : vector<4096x1xf32> to vector<1x4096x1xf32>
    %swap3A = arith.constant 0 : index
    %swap3A_776 = arith.constant 0 : index
    %swap3A_777 = arith.constant 0 : index
    %swap3A_778 = vector.load %arg13[%swap3A, %swap3A_776, %swap3A_777] : memref<1x4096x1xf32, #tpu.memory_space<vmem>>, vector<1x4096x1xf32>
    tpu.vector_store %arg13[%swap3A, %swap3A_776, %swap3A_777], %broadcast_in_dim3A {strides = array<i32>} : memref<1x4096x1xf32, #tpu.memory_space<vmem>>, vector<1x4096x1xf32>,
    return
  }
  func.func @transform_0(%arg0: i32, %arg1: i32) -> (i32, i32, i32) {
    %c0_i32 = arith.constant 0 : i32
    %c0_i32_0 = arith.constant 0 : i32
    return %arg0, %arg1, %c0_i32 : i32, i32, i32
  }
  func.func @transform_1(%arg0: i32, %arg1: i32) -> (i32, i32, i32) {
    %c0_i32 = arith.constant 0 : i32
    %c0_i32_0 = arith.constant 0 : i32
    %c0_i32_1 = arith.constant 0 : i32
    return %arg0, %c0_i32, %c0_i32_0 : i32, i32, i32
  }
  func.func @transform_2(%arg0: i32, %arg1: i32) -> (i32, i32, i32) {
    %c0_i32 = arith.constant 0 : i32
    %c0_i32_0 = arith.constant 0 : i32
    %c0_i32_1 = arith.constant 0 : i32
    %c0_i32_2 = arith.constant 0 : i32
    return %c0_i32, %c0_i32_0, %c0_i32_1 : i32, i32, i32
  }
  func.func @transform_3(%arg0: i32, %arg1: i32) -> (i32, i32, i32) {
    %c0_i32 = arith.constant 0 : i32
    %c0_i32_0 = arith.constant 0 : i32
    %c0_i32_1 = arith.constant 0 : i32
    %c0_i32_2 = arith.constant 0 : i32
    return %c0_i32, %c0_i32_0, %c0_i32_1 : i32, i32, i32
  }
  func.func @transform_4(%arg0: i32, %arg1: i32) -> (i32, i32, i32) {
    %c0_i32 = arith.constant 0 : i32
    %c0_i32_0 = arith.constant 0 : i32
    %c0_i32_1 = arith.constant 0 : i32
    %c0_i32_2 = arith.constant 0 : i32
    return %c0_i32, %c0_i32_0, %c0_i32_1 : i32, i32, i32
  }
  func.func @transform_5(%arg0: i32, %arg1: i32) -> (i32, i32, i32) {
    %c0_i32 = arith.constant 0 : i32
    %c0_i32_0 = arith.constant 0 : i32
    %c0_i32_1 = arith.constant 0 : i32
    %c0_i32_2 = arith.constant 0 : i32
    return %c0_i32, %c0_i32_0, %c0_i32_1 : i32, i32, i32
  }
  func.func @transform_6(%arg0: i32, %arg1: i32) -> (i32, i32, i32) {
    %c0_i32 = arith.constant 0 : i32
    %c0_i32_0 = arith.constant 0 : i32
    %c0_i32_1 = arith.constant 0 : i32
    %c0_i32_2 = arith.constant 0 : i32
    return %c0_i32, %c0_i32_0, %c0_i32_1 : i32, i32, i32
  }
  func.func @transform_7(%arg0: i32, %arg1: i32) -> (i32, i32, i32) {
    %c0_i32 = arith.constant 0 : i32
    %c0_i32_0 = arith.constant 0 : i32
    %c0_i32_1 = arith.constant 0 : i32
    %c0_i32_2 = arith.constant 0 : i32
    return %c0_i32, %c0_i32_0, %c0_i32_1 : i32, i32, i32
  }
  func.func @transform_8(%arg0: i32, %arg1: i32) -> (i32, i32, i32) {
    %c0_i32 = arith.constant 0 : i32
    %c0_i32_0 = arith.constant 0 : i32
    %c0_i32_1 = arith.constant 0 : i32
    %c0_i32_2 = arith.constant 0 : i32
    return %c0_i32, %c0_i32_0, %c0_i32_1 : i32, i32, i32
  }
  func.func @transform_9(%arg0: i32, %arg1: i32) -> (i32, i32) {
    %c0_i32 = arith.constant 0 : i32
    %c0_i32_0 = arith.constant 0 : i32
    %c0_i32_1 = arith.constant 0 : i32
    return %c0_i32, %c0_i32_0 : i32, i32
  }
  func.func @transform_10(%arg0: i32, %arg1: i32) -> (i32, i32) {
    %c0_i32 = arith.constant 0 : i32
    %c0_i32_0 = arith.constant 0 : i32
    %c0_i32_1 = arith.constant 0 : i32
    return %c0_i32, %c0_i32_0 : i32, i32
  }
  func.func @transform_11(%arg0: i32, %arg1: i32) -> (i32, i32, i32) {
    %c0_i32 = arith.constant 0 : i32
    %c0_i32_0 = arith.constant 0 : i32
    return %arg0, %arg1, %c0_i32 : i32, i32, i32
  }
}

</mosaic_0001>

<sc_bundles>
// kernel: kernel.4.cloned.1.call-start
scs
__scs_entry_jumppad:
0x0: {  	(pc) =	sbr.rel $0x88, $3  }
0x1: {  	(tag) =	ssettag $0x0;
	lr =	simm.s32 $0x1  }
0x2: {  	[smem:$0x3F95] =	sst lr;
	_ =	strace $0xD0000000  }
0x3: {  	_ = 	snop  }
0x4: {  	_ = 	snop  }
0x5: {  	_ = 	snop  }
0x6: {  	_ = 	snop  }
0x7: {  	_ = 	snop  }
__scs_overlays_trampoline_lowered:
0x8: {  	[smem:$0x3FA4] =	sst s0  }
0x9: {  	[smem:$0x3FA5] =	sst s1  }
0xa: {  	[smem:$0x3FA6] =	sst s2  }
0xb: {  	[smem:$0x3FA7] =	sst s3  }
0xc: {  	[smem:$0x3FA8] =	sst s4  }
0xd: {  	[smem:$0x3FA9] =	sst s5  }
0xe: {  	[smem:$0x3FAA] =	sst s6  }
0xf: {  	[smem:$0x3FAB] =	sst s7  }
0x10: {  	[smem:$0x3FAC] =	sst s8  }
0x11: {  	[smem:$0x3FAD] =	sst s9;
	s0 =	simm.s32 @!p0 $0x0  }
0x12: {  	s1 =	sld [smem:$0x3F93];
	s0 =	simm.s32 @p0 $0x1  }
0x13: {  	[smem:$0x3FAE] =	sst s0;
	s0 =	simm.s32 @!p1 $0x0  }
0x14: {  	s2 =	sld [smem:$0x3F92];
	s0 =	simm.s32 @p1 $0x1  }
0x15: {  	[smem:$0x3FAF] =	sst s0;
	s0 =	simm.s32 @!p2 $0x0  }
0x16: {  	s3 =	sld [smem:$0x3FDB];
	s0 =	simm.s32 @p2 $0x1  }
0x17: {  	s4 =	simm.s32 $0x1BF5;
	[smem:$0x3FB1] =	sst s0  }
0x18: {  	s0 =	sld [smem:$0x3F94];
	_ =	swait.ge [sflag:s4], $0x0  }
0x19: {  	s7 =	sld [smem:$0x3F95]  }
0x1a: {  	s8 =	sadd.s32 $0xFFFFE003, lr  }
0x1b: {  	s9 =	sadd.s32 $0xFFFFFEF7, lr;
	s5 =	simm.s32 $0xFFFFFFFF;
	p2 =	slt.u32 s8, $0xFFFFF086  }
0x1c: {  	p1 =	slt.u32 s9, $0xF7A;
	s5 =	simm.s32 @!p2 $0x0  }
0x1d: {  	s5 =	simm.s32 @p1 $0x1;
	p0 =	seq.s32 s7, s2  }
0x1e: {  	s7 =	smul.u32 @!p0 $0xF7A, s2;
	p2 =	seq.s32 @!p0 s5, $0x0  }
0x1f: {  	s9 =	smul.u32 $0xF7A, s1;
	s8 =	simm.s32 @!p0 $0x1BF5;
	p2 =	por !p2, p0  }
0x20: {  	[sflag:s8] =	ssyncset.s32 @!p0 $0xFFFFF086;
	s6 =	sadd.s32 @!p0 s3, s7;
	s7 =	simm.s32 @!p0 $0x108  }
0x21: {  	s3 =	sadd.s32 s3, s9;
	s6 =	sadd.s32 @!p0 $0x88, s6;
	s7 =	simm.s32 @p2 $0x1082  }
0x22: {  	[simem:s7], [sflag:s8] =	dma.local @!p0 [hbm:s6], $0xF7A  }
0x23: {  	s9 =	sor.u32 $0xD0000000, s2;
	s6 =	simm.s32 $0x108;
	_ =	swait.ge @!p0 [sflag:s8], $0x0  }
0x24: {  	s3 =	sadd.s32 $0x88, s3;
	s6 =	simm.s32 @!p1 $0x1082;
	[sflag:s4] =	ssyncset.s32 $0xFFFFF086  }
0x25: {  	[simem:s6], [sflag:s4] =	dma.local [hbm:s3], $0xF7A  }
0x26: {  	[smem:$0x3F95] =	sst s1;
	(tag) =	ssettag s2;
	_ =	strace s9  }
0x27: {  	s1 =	sld [smem:$0x3FA5]  }
0x28: {  	s2 =	sld [smem:$0x3FA6]  }
0x29: {  	s4 =	sld [smem:$0x3FA8]  }
0x2a: {  	p0 =	seq.s32 s5, $0x0;
	s5 =	sld [smem:$0x3FA9]  }
0x2b: {  	s6 =	sld [smem:$0x3FAA]  }
0x2c: {  	s7 =	sld [smem:$0x3FAB]  }
0x2d: {  	s3 =	simm.s32 $0x108;
	s8 =	sld [smem:$0x3FAC]  }
0x2e: {  	s3 =	simm.s32 @!p0 $0x1082;
	s9 =	sld [smem:$0x3FAD]  }
0x2f: {  	lr =	sadd.s32 s0, s3;
	s0 =	sld [smem:$0x3FA4]  }
0x30: {  	s3 =	sld [smem:$0x3FA7]  }
0x31: {  	[smem:$0x3FB0] =	sst s10  }
0x32: {  	s10 =	sld [smem:$0x3FAE];
	_ =	sdelay $0x3  }
0x33: {  	p0 =	seq.s32 s10, $0x1;
	s10 =	sld [smem:$0x3FB0];
	_ =	sdelay $0x3  }
0x34: {  	[smem:$0x3FB0] =	sst s10  }
0x35: {  	s10 =	sld [smem:$0x3FAF];
	_ =	sdelay $0x3  }
0x36: {  	p1 =	seq.s32 s10, $0x1;
	s10 =	sld [smem:$0x3FB0];
	_ =	sdelay $0x3  }
0x37: {  	[smem:$0x3FB0] =	sst s10  }
0x38: {  	s10 =	sld [smem:$0x3FB1]  }
0x39: {  	_ = 	snop;
	(pc) =	sbr.ind lr, $3  }
0x3a: {  	_ = 	snop  }
0x3b: {  	_ = 	snop  }
0x3c: {  	p2 =	seq.s32 s10, $0x1;
	s10 =	sld [smem:$0x3FB0]  }
0x3d: {  	_ =	shalt  }
0x3e: {  	_ =	shalt  }
0x3f: {  	_ =	shalt  }
0x40: {  	_ =	shalt  }
0x41: {  	_ =	shalt  }
0x42: {  	_ =	shalt  }
0x43: {  	_ =	shalt  }
0x44: {  	_ =	shalt  }
0x45: {  	_ =	shalt  }
0x46: {  	_ =	shalt  }
0x47: {  	_ =	shalt  }
0x48: {  	_ =	shalt  }
0x49: {  	_ =	shalt  }
0x4a: {  	_ =	shalt  }
0x4b: {  	_ =	shalt  }
0x4c: {  	_ =	shalt  }
0x4d: {  	_ =	shalt  }
0x4e: {  	_ =	shalt  }
0x4f: {  	_ =	shalt  }
0x50: {  	_ =	shalt  }
0x51: {  	_ =	shalt  }
0x52: {  	_ =	shalt  }
0x53: {  	_ =	shalt  }
0x54: {  	_ =	shalt  }
0x55: {  	_ =	shalt  }
0x56: {  	_ =	shalt  }
0x57: {  	_ =	shalt  }
0x58: {  	_ =	shalt  }
0x59: {  	_ =	shalt  }
0x5a: {  	_ =	shalt  }
0x5b: {  	_ =	shalt  }
0x5c: {  	_ =	shalt  }
0x5d: {  	_ =	shalt  }
0x5e: {  	_ =	shalt  }
0x5f: {  	_ =	shalt  }
0x60: {  	_ =	shalt  }
0x61: {  	_ =	shalt  }
0x62: {  	_ =	shalt  }
0x63: {  	_ =	shalt  }
0x64: {  	_ =	shalt  }
0x65: {  	_ =	shalt  }
0x66: {  	_ =	shalt  }
0x67: {  	_ =	shalt  }
0x68: {  	_ =	shalt  }
0x69: {  	_ =	shalt  }
0x6a: {  	_ =	shalt  }
0x6b: {  	_ =	shalt  }
0x6c: {  	_ =	shalt  }
0x6d: {  	_ =	shalt  }
0x6e: {  	_ =	shalt  }
0x6f: {  	_ =	shalt  }
0x70: {  	_ =	shalt  }
0x71: {  	_ =	shalt  }
0x72: {  	_ =	shalt  }
0x73: {  	_ =	shalt  }
0x74: {  	_ =	shalt  }
0x75: {  	_ =	shalt  }
0x76: {  	_ =	shalt  }
0x77: {  	_ =	shalt  }
0x78: {  	_ =	shalt  }
0x79: {  	_ =	shalt  }
0x7a: {  	_ =	shalt  }
0x7b: {  	_ =	shalt  }
0x7c: {  	_ =	shalt  }
0x7d: {  	_ =	shalt  }
0x7e: {  	_ =	shalt  }
0x7f: {  	_ =	shalt  }
0x80: {  	_ =	shalt  }
0x81: {  	_ =	shalt  }
0x82: {  	_ =	shalt  }
0x83: {  	_ =	shalt  }
0x84: {  	_ =	shalt  }
0x85: {  	_ =	shalt  }
0x86: {  	_ =	shalt  }
0x87: {  	_ =	shalt  }
.Lfunc_end0:
.L_simem_size_0:
called_computation_lowered:
.L_overlay_start_0:
0x88: {  	s2 =	sld [smem:$0x3FD9]  }
0x89: {  	s3 =	sld [smem:$0x3FFE];
	_ =	sdelay $0x1  }
0x8a: {  	s1 =	srdreg.scid  }
0x8b: {  	s0 =	sand.u32 $0x1, s1  }
0x8c: {  	s18 =	sshll.u32 s0, $0xA;
	s2 =	sadd.s32 s3, s2  }
0x8d: {  	s2 =	sadd.s32 s2, s18  }
0x8e: {  	[smem:$0x3FBC] =	sst s2  }
0x8f: {  	_ = 	snop  }
0x90: {  	s2 =	sld [smem:$0x3FC8]  }
0x91: {  	s19 =	sld [smem:$0x3FC7]  }
0x92: {  	s4 =	sld [smem:$0x3FD0];
	(tm) =	ssettm $0x1  }
0x93: {  	s5 =	sld [smem:$0x3FFB];
	_ =	sdelay $0x3  }
0x94: {  	_ =	strace s5  }
0x95: {  	s5 =	sld [smem:$0x3FFC];
	_ =	sdelay $0x3  }
0x96: {  	_ =	strace s5  }
0x97: {  	s5 =	sld [smem:$0x3FFD];
	_ =	sdelay $0x3  }
0x98: {  	_ =	strace s5  }
0x99: {  	_ =	strace $0x8FFFFFFF  }
0x9a: {  	s20 =	sld [smem:$0x3FDB];
	_ =	sdelay $0x1  }
0x9b: {  	s6 =	simm.s32 $_scs_section_size  }
0x9c: {  	s7 =	simm.s32 $_size__tile_overlayer_lowered;
	s8 =	simm.s32 $_tile_overlayer_lowered  }
0x9d: {  	s23 =	simm.s32 $0x1BFF;
	s22 =	sshll.u32 s8, $0x1;
	s5 =	sadd.s32 s6, s20  }
0x9e: {  	s9 =	simm.s32 $0x0;
	s21 =	sshll.u32 s7, $0x1;
	s7 =	sadd.s32 s22, s5  }
0x9f: {  	[timem:s9], [sflag:s23] =	dma.local [hbm:s7], s21  }
0xa0: {  	_ =	swait.ge [sflag:s23], s21  }
0xa1: {  	s6 =	ssub.s32 $0x0, s21;
	[sflag:s23] =	ssyncset.done $0x0  }
0xa2: {  	[sflag:s23] =	ssyncadd.s32 s6;
	_ =	sdelay $0x1  }
0xa3: {  	s24 =	simm.s32 $0x1B8B  }
0xa4: {  	_ =	swait.ge [sflag:s24], $0x1  }
0xa5: {  	[sflag:s24] =	ssyncset.done $0x0  }
0xa6: {  	s25 =	simm.s32 $0x1B8E;
	[sflag:s24] =	ssyncadd.s32 $0xFFFFFFFF  }
0xa7: {  	s26 =	simm.s32 $execute0_lowered;
	[smem:$0x3FD2] =	sst s25  }
0xa8: {  	s6 =	sshll.u32 s26, $0x1;
	_ =	strace $0x80000046;
	[dreg:$0x1] =	wrdreg $0xFFFFFFFF  }
0xa9: {  	s28 =	simm.s32 $_size_execute0_lowered;
	s5 =	sadd.s32 s5, s6;
	[dreg:$0x0] =	wrdreg $0x0  }
0xaa: {  	s6 =	sshll.u32 s28, $0x1;
	[dreg:$0x2] =	wrdreg s5  }
0xab: {  	[dreg:$0x3] =	wrdreg s6  }
0xac: {  	[dreg:$0x4] =	wrdreg $0xC0  }
0xad: {  	_ =	task [dreg:s9], $0x5FFFF  }
0xae: {  	[dreg:$0x1] =	wrdreg $0xFFFFFFFF  }
0xaf: {  	[dreg:$0x0] =	wrdreg $0x60  }
0xb0: {  	[dreg:$0x2] =	wrdreg s19  }
0xb1: {  	[dreg:$0x3] =	wrdreg s2  }
0xb2: {  	[dreg:$0x4] =	wrdreg s4  }
0xb3: {  	[dreg:$0x5] =	wrdreg $0x9  }
0xb4: {  	_ =	task.clear_ibuf [dreg:s9], $0x6FFFF;
	_ =	strace $0x90000046  }
0xb5: {  	s29 =	simm.s32 $0x9;
	_ =	strace $0x80000048  }
0xb6: {  	_ =	swait.ge [sflag:s29], $0x1  }
0xb7: {  	[sflag:s29] =	ssyncadd.s32 $0xFFFFFFFF  }
0xb8: {  	_ =	strace $0x90000048  }
0xb9: {  	_ =	sfence  }
0xba: {  	s30 =	sld [smem:$0x0];
	_ =	sdelay $0x2  }
0xbb: {  	s31 =	sshll.u32 s1, $0xD;
	s1 =	sshrl.u32 s1, $0x2  }
0xbc: {  	s3 =	sand.u32 $0x4000, s31;
	s1 =	sadd.s32 s1, s30  }
0xbd: {  	s0 =	sor.u32 s3, s0;
	s1 =	sshll.u32 s1, $0x11  }
0xbe: {  	s0 =	sor.u32 s1, s0  }
0xbf: {  	s0 =	sadd.s32 $0x8F2B, s0  }
0xc0: {  	[sflag:s0] =	ssyncadd.remote.s32 $0x1  }
0xc1: {  	_ =	sfence.sel $0xFFFF  }
0xc2: {  	[dreg:$0x0] =	wrdreg $0xFFFFFFFF;
	(pc) =	sbr.abs _section_cstart, $3  }
0xc3: {  	[dreg:$0x1] =	wrdreg $0xFFFFFFFF  }
0xc4: {  	_ =	task.clear_ibuf [dreg:s9], $0x2FFFF;
	_ =	strace $0x9FFFFFFF  }
0xc5: {  	(tm) =	ssettm $0x7FFFFFFF  }
tec
execute0_lowered:
.L_overlay_start_1:
0x0: {  	(tag) =	ssettag $0x1  }
0x1: {  	s0 =	srdreg.scid  }
0x2: {  	s10 =	sand.u32 $0x1, s0;
	s0 =	stileid.u32  }
0x3: {  	s5 =	sor.u32 s0, s10  }
0x4: {  	p0 =	sne.s32 s5, $0x0  }
.Ltmp0:
0x5: {  	_ = 	snop;
	(pc) =	sbr.rel @p0 .LBB2_4-.Ltmp0, $4  }
0x6: {  	s2 =	rddreg [dreg:$0x0]  }
0x7: {  	s3 =	rddreg [dreg:$0x1]  }
0x8: {  	s4 =	rddreg [dreg:$0x2]  }
0x9: {  	s1 =	rddreg [dreg:$0x3];
	_ =	strace $0x80000047  }
0xa: {  	s6 =	simm.s32 $0x0;
	s5 =	simm.s32 $0x2  }
0xb: {  	[tilespmem:s6], [sflag:$0x2] =	stream.linear.gather [hbm4b:s3+s6], $0x80, $0x38;
	[tilespmem:$0x1080] =	vst v63  }
0xc: {  	_ =	swait.ge [sflag:s5], $0x80  }
0xd: {  	[sflag:s5] =	ssyncset.done $0x0  }
0xe: {  	[sflag:s5] =	ssyncadd.s32 $0xFFFFFF80  }
0xf: {  	v0 =	vld [tilespmem:$0x0];
	_ =	sdelay $0x4  }
0x10: {  	v1 =	vshll.u32 v0, $0x1  }
0x11: {  	v2 =	vlaneseq.u32;
	v3 =	vand.u32 $0x7, v0;
	v1 =	vand.u32 $0xFFFFFFF0, v1  }
0x12: {  	v4 =	vshrl.u32 v2, $0x3;
	v0 =	vand.u32 $0x7, v2;
	v3 =	vor.u32 v3, v1  }
0x13: {  	v1 =	vmul.u32 $0x8, v4;
	v63 =	vperm.xlane v3, v0  }
0x14: {  	v2 =	vor.u32 $0x8, v2  }
0x15: {  	v3 =	vperm.xlane v3, v2;
	v4 =	vadd.s32 v1, v63;
	_ =	sdelay $0x1  }
0x16: {  	v3 =	vadd.s32 v1, v3  }
0x17: {  	s10 =	ssub.s32 $0x2, s10  }
0x18: {  	vm0 =	vmmov $0xffff;
	s7 =	simm.s32 $0x80;
	s11 =	sshrl.u32 s10, $0x1  }
0x19: {  	[tilespmem:s7], [sflag:$0x1] =	stream.indirect_vreg.gather [hbm4b:s2+s6], $0x80, v4, vm0, $0xb8;
	[tilespmem:$0x1080] =	vst v63  }
0x1a: {  	s8 =	simm.s32 $0x880;
	s9 =	simm.s32 $0x1;
	s10 =	ssub.s32 s10, s11  }
0x1b: {  	[tilespmem:s8], [sflag:$0x1] =	stream.indirect_vreg.gather [hbm4b:s2+s6], $0x80, v3, vm0, $0xb8;
	[tilespmem:$0x1080] =	vst v63  }
0x1c: {  	p0 =	sne.s32 s10, $0x1;
	_ =	swait.ge [sflag:s9], $0x1000  }
.Ltmp1:
0x1d: {  	[sflag:s9] =	ssyncset.done $0x0;
	(pc) =	sbr.rel @!p0 .LBB2_3-.Ltmp1, $4  }
0x1e: {  	[sflag:s9] =	ssyncadd.s32 $0xFFFFF000  }
0x1f: {  	[hbm4b:s4+s6] =	stream.linear.scatter [tilespmem:s7], [sflag:$0x2], $0x1000, $0x38;
	[tilespmem:$0x1080] =	vst v63  }
0x20: {  	_ =	swait.ge [sflag:s5], $0x1000  }
0x21: {  	s10 =	sadd.s32 $0xFFFFFFFF, s10;
	[sflag:s5] =	ssyncset.done $0x0  }
.LBB2_2:
0x22: {  	p0 =	sne.s32 s10, $0x1;
	s10 =	sadd.s32 $0xFFFFFFFF, s10;
	[sflag:s5] =	ssyncadd.s32 $0xFFFFF000  }
0x23: {  	[tilespmem:s6], [sflag:$0x2] =	stream.linear.gather [hbm4b:s3+s6], $0x80, $0x38;
	[tilespmem:$0x1080] =	vst v63  }
0x24: {  	_ =	swait.ge [sflag:s5], $0x80  }
0x25: {  	[sflag:s5] =	ssyncset.done $0x0  }
0x26: {  	[sflag:s5] =	ssyncadd.s32 $0xFFFFFF80  }
0x27: {  	v3 =	vld [tilespmem:$0x0];
	_ =	sdelay $0x4  }
0x28: {  	v4 =	vshll.u32 v3, $0x1  }
0x29: {  	v3 =	vand.u32 $0x7, v3;
	v4 =	vand.u32 $0xFFFFFFF0, v4  }
0x2a: {  	v3 =	vor.u32 v3, v4  }
0x2b: {  	v4 =	vperm.xlane v3, v0;
	v3 =	vperm.xlane v3, v2;
	_ =	sdelay $0x1  }
0x2c: {  	v4 =	vadd.s32 v1, v4;
	_ =	sdelay $0x1  }
0x2d: {  	v3 =	vadd.s32 v1, v3;
	_ =	sdelay $0x2  }
0x2e: {  	[tilespmem:s7], [sflag:$0x1] =	stream.indirect_vreg.gather [hbm4b:s2+s6], $0x80, v4, vm0, $0xb8;
	[tilespmem:$0x1080] =	vst v63  }
0x2f: {  	_ = 	snop  }
0x30: {  	[tilespmem:s8], [sflag:$0x1] =	stream.indirect_vreg.gather [hbm4b:s2+s6], $0x80, v3, vm0, $0xb8;
	[tilespmem:$0x1080] =	vst v63  }
0x31: {  	_ =	swait.ge [sflag:s9], $0x1000  }
.Ltmp2:
0x32: {  	[sflag:s9] =	ssyncset.done $0x0;
	(pc) =	sbr.rel @p0 .LBB2_2-.Ltmp2, $4  }
0x33: {  	[sflag:s9] =	ssyncadd.s32 $0xFFFFF000  }
0x34: {  	[hbm4b:s4+s6] =	stream.linear.scatter [tilespmem:s7], [sflag:$0x2], $0x1000, $0x38;
	[tilespmem:$0x1080] =	vst v63  }
0x35: {  	_ =	swait.ge [sflag:s5], $0x1000  }
0x36: {  	[sflag:s5] =	ssyncset.done $0x0  }
.LBB2_3:
0x37: {  	[sflag:s5] =	ssyncadd.s32 $0xFFFFF000  }
.LBB2_4:
0x38: {  	_ =	sfence.sel $0x180000  }
0x39: {  	[bflag:$0x0] =	sbarrier.arrive $0xFFFF  }
0x3a: {  	p0 =	sne.s32 s0, $0x0;
	_ =	strace $0x90000047  }
0x3b: {  	s0 =	sadd.s32 @!p0 $0x100000, s1;
	[bflag:$0x2] =	sbarrier.arrive $0xFFFF  }
0x3c: {  	[sflag:s0] =	ssyncadd.tile.s32 @!p0 $0x1;
	_ =	shalt  }
.Lfunc_end2:
_tile_overlayer_lowered:
.L_overlay_start_2:
0x3d: {  	(tag) =	ssettag $0x2  }
0x3e: {  	s0 =	rddreg [dreg:$0x0];
	s2 =	stileid.u32  }
0x3f: {  	s1 =	rddreg [dreg:$0x1];
	p0 =	sne.s32 s2, $0x0  }
0x40: {  	s3 =	rddreg [dreg:$0x2];
	[bflag:$0x3] =	sbarrier.arrive $0xFFFF;
	s2 =	simm.s32 @!p0 $0x1C02  }
0x41: {  	[timem:s3], [sflag:s2] =	dma.local @!p0 [hbm:s0], s1  }
0x42: {  	s0 =	simm.s32 @!p0 $0x2  }
0x43: {  	_ =	swait.ge @!p0 [sflag:s0], s1  }
0x44: {  	s1 =	ssub.s32 @!p0 $0x0, s1;
	[sflag:s0] =	ssyncset.done @!p0 $0x0  }
0x45: {  	[sflag:s0] =	ssyncadd.s32 @!p0 s1  }
0x46: {  	[bflag:$0x3] =	sbarrier.arrive $0xFFFF  }
0x47: {  	_ =	shalt  }

</sc_bundles>
